<compile_context>
chip_gen: v7x
topology: tpu7x:2x2x1
jax: 0.10.2.dev20260603
libtpu: 0.0.44.dev20260713+nightly
codegen_flags: <defaults>
</compile_context>

<pallas_src>
import functools

import jax
import jax.numpy as jnp
from jax import lax
from jax.experimental import pallas as pl
from jax.experimental.pallas import tpu as pltpu
from jax.experimental.pallas import tpu_sc as plsc

_B, _N, _C, _K = 16, 8192, 3, 512


_LN = 128
_CH = _N // _LN
_NS = 2
_CPS = _CH // _NS


def _fps_body(xt_ref, idx_ref, dist_ref):
    idx_ref[0:1, :] = jnp.zeros((1, _B), jnp.int32)
    dist_ref[...] = jnp.full((_B, _N), jnp.inf, jnp.float32)
    p0 = jnp.broadcast_to(xt_ref[0, :, 0:1], (_B, _LN))
    p1 = jnp.broadcast_to(xt_ref[1, :, 0:1], (_B, _LN))
    p2 = jnp.broadcast_to(xt_ref[2, :, 0:1], (_B, _LN))
    lane = lax.broadcasted_iota(jnp.int32, (_B, _LN), 1)

    def body(j, carry):
        p0, p1, p2 = carry

        def chunk_vals(c):
            sl = pl.ds(c * _LN, _LN)
            x0 = xt_ref[0, :, sl]
            x1 = xt_ref[1, :, sl]
            x2 = xt_ref[2, :, sl]
            t0 = x0 - p0
            t1 = x1 - p1
            t2 = x2 - p2
            d = t0 * t0 + t1 * t1 + t2 * t2
            nd = jnp.minimum(dist_ref[:, sl], d)
            dist_ref[:, sl] = nd
            return nd, x0, x1, x2

        accs = []
        for s in range(_NS):
            c0 = s * _CPS
            nd, x0, x1, x2 = chunk_vals(c0)
            bv, bc = nd, jnp.full((_B, _LN), c0, jnp.int32)
            b0, b1, b2 = x0, x1, x2
            for t in range(1, _CPS):
                c = c0 + t
                nd, x0, x1, x2 = chunk_vals(c)
                upd = nd > bv
                bv = jnp.where(upd, nd, bv)
                bc = jnp.where(upd, c, bc)
                b0 = jnp.where(upd, x0, b0)
                b1 = jnp.where(upd, x1, b1)
                b2 = jnp.where(upd, x2, b2)
            accs.append((bv, bc, b0, b1, b2))

        def merge(a, b):
            upd = b[0] > a[0]
            return tuple(jnp.where(upd, yb, ya) for ya, yb in zip(a, b))

        while len(accs) > 1:
            accs = [merge(accs[i], accs[i + 1]) if i + 1 < len(accs)
                    else accs[i] for i in range(0, len(accs), 2)]
        bv, bc, b0, b1, b2 = accs[0]

        m = jnp.max(bv, axis=1, keepdims=True)
        eq = bv == m
        n_cand = bc * _LN + lane
        nf = n_cand.astype(jnp.float32) * 2048.0

        def keymin(payload):
            k = jnp.where(eq, nf + payload.astype(jnp.float32), 16777216.0)
            return jnp.min(k, axis=1, keepdims=True).astype(jnp.int32)

        def chunks(v):
            vb = lax.bitcast_convert_type(v, jnp.int32)
            return ((vb >> 21) & jnp.int32(0x7FF),
                    (vb >> 10) & jnp.int32(0x7FF),
                    vb & jnp.int32(0x3FF))

        def coord(ka, kb, kc):
            vb = (((ka & jnp.int32(0x7FF)) << 21)
                  | ((kb & jnp.int32(0x7FF)) << 10)
                  | (kc & jnp.int32(0x3FF)))
            return lax.bitcast_convert_type(vb, jnp.float32)

        a0, b0c, c0 = chunks(b0)
        a1, b1c, c1 = chunks(b1)
        a2, b2c, c2 = chunks(b2)
        k0a, k0b, k0c = keymin(a0), keymin(b0c), keymin(c0)
        k1a, k1b, k1c = keymin(a1), keymin(b1c), keymin(c1)
        k2a, k2b, k2c = keymin(a2), keymin(b2c), keymin(c2)

        p0 = jnp.broadcast_to(coord(k0a, k0b, k0c), (_B, _LN))
        p1 = jnp.broadcast_to(coord(k1a, k1b, k1c), (_B, _LN))
        p2 = jnp.broadcast_to(coord(k2a, k2b, k2c), (_B, _LN))
        nxt = k0a >> 11
        idx_ref[pl.ds(j, 1), :] = nxt.reshape(1, _B)
        return (p0, p1, p2)

    lax.fori_loop(1, _K, body, (p0, p1, p2))


def _fps_indices(xt, interpret=False):
    return pl.pallas_call(
        _fps_body,
        out_shape=jax.ShapeDtypeStruct((_K, _B), jnp.int32),
        scratch_shapes=[pltpu.VMEM((_B, _N), jnp.float32)],
        interpret=interpret,
    )(xt)


_HALF = _K // 2


def _sc_gather_body(x_hbm, idx_hbm, out_hbm, xv, iv, ov):
    wid = lax.axis_index("s") * 2 + lax.axis_index("c")
    b = wid // 2
    h = wid % 2
    pltpu.sync_copy(x_hbm.at[b], xv)
    pltpu.sync_copy(idx_hbm.at[b, pl.ds(h * _HALF, _HALF)], iv)
    for t in range(_HALF // 16):
        base = iv[pl.ds(t * 16, 16)] * 3
        for c in range(_C):
            vals = plsc.load_gather(xv, [base + c])
            ov[c, pl.ds(t * 16, 16)] = vals
    pltpu.sync_copy(ov, out_hbm.at[b, h])


@jax.jit
def _sc_gather(xflat, idx):
    mesh = plsc.VectorSubcoreMesh(core_axis_name="c", subcore_axis_name="s")
    run = functools.partial(
        pl.kernel,
        mesh=mesh,
        out_type=jax.ShapeDtypeStruct((_B, 2, _C, _HALF), jnp.float32),
        scratch_types=[
            pltpu.VMEM((_N * _C,), jnp.float32),
            pltpu.VMEM((_HALF,), jnp.int32),
            pltpu.VMEM((_C, _HALF), jnp.float32),
        ],
        compiler_params=pltpu.CompilerParams(needs_layout_passes=False),
    )(_sc_gather_body)
    out4 = run(xflat, idx)
    return out4.transpose(0, 1, 3, 2).reshape(_B, _K, _C)


@jax.jit
def kernel(x):
    xt = jnp.transpose(x, (2, 0, 1))
    idx_kb = _fps_indices(xt)
    idx = idx_kb.T
    return _sc_gather(x.reshape(_B, _N * _C), idx)

# --- scband reference (transcript-rebuilt; emitter-appended) ---
"""Pipeline reference for scband-fpssampler-5342939316675 (READ-ONLY COPY).

The authoritative reference and input builder live on the scoring server;
editing this copy changes nothing except your own understanding.
"""

import jax, jax.numpy as jnp
import numpy as np

NUM_OUT_POINTS = 512


def fps(x, k):
    # x: [B, N, C] -> idx: [B, k] farthest point sampling, seeded at point 0
    B, N, C = x.shape

    def body(carry, _):
        dist, last = carry
        last_pt = jnp.take_along_axis(x, last[:, None, None], axis=1)  # [B, 1, C]
        d = jnp.sum((x - last_pt) ** 2, axis=-1)  # [B, N]
        dist = jnp.minimum(dist, d)
        nxt = jnp.argmax(dist, axis=-1).astype(jnp.int32)  # [B]
        return (dist, nxt), nxt

    init_dist = jnp.full((B, N), jnp.inf, dtype=x.dtype)
    first = jnp.zeros((B,), dtype=jnp.int32)
    (_, _), rest = jax.lax.scan(body, (init_dist, first), None, length=k - 1)  # rest: [k-1, B]
    idx = jnp.concatenate([first[None, :], rest], axis=0)  # [k, B]
    return idx.T  # [B, k]


def setup_inputs(seed: int = 0) -> dict:
    key = jax.random.key(seed)
    x = jax.random.normal(key, (16, 8192, 3), dtype=jnp.float32)
    return {"x": x}


def reference(x):
    # permute=False, input_shape='bnc', output_shape='bnc'
    idx = fps(x, NUM_OUT_POINTS)  # [B, k]
    # input_shape == 'bnc' -> permute to bcn, gather along point dim, permute back
    x_bcn = jnp.transpose(x, (0, 2, 1))  # [B, C, N]
    B, C, N = x_bcn.shape
    k = idx.shape[1]
    idx_b = jnp.broadcast_to(idx[:, None, :], (B, C, k))
    y = jnp.take_along_axis(x_bcn, idx_b, axis=2)  # [B, C, k]
    y = jnp.transpose(y, (0, 2, 1))  # [B, k, C] (output_shape == 'bnc')
    return y

if __name__ == "__main__":
    import jax
    _d = setup_inputs()
    print(jax.jit(kernel)(*tuple(_d.values())))

</pallas_src>

<mosaic_0001>
#map = affine_map<(d0, d1) -> (0, 0)>
#map1 = affine_map<(d0, d1) -> (0, 0, 0, 0)>
module attributes {stable_mosaic.version = 14 : i64} {
  func.func @_sc_gather_body(%arg0: i32, %arg1: i32, %arg2: memref<16x24576xf32, #tpu.memory_space<hbm>>, %arg3: memref<16x512xi32, #tpu.memory_space<hbm>>, %arg4: memref<16x2x3x256xf32, #tpu.memory_space<hbm>>, %arg5: memref<24576xf32, #tpu.memory_space<vmem>>, %arg6: memref<256xi32, #tpu.memory_space<vmem>>, %arg7: memref<3x256xf32, #tpu.memory_space<vmem>>) attributes {dimension_semantics = [#tpu.dimension_semantics<core_parallel>, #tpu.dimension_semantics<subcore_parallel>], iteration_bounds = array<i64: 2, 16>, scalar_prefetch = 0 : i64, scratch_operands = 3 : i64, tpu.core_type = #tpu.core_type<sc_vector_subcore>, window_params = [{transform_indices = #map}, {transform_indices = #map}, {transform_indices = #map1}]} {
    %mul3A = arith.constant 2 : i32
    %mul3A_0 = arith.muli %arg1, %mul3A : i32
    %add3A = arith.addi %mul3A_0, %arg0 : i32
    %jit3A = arith.constant 2 : i32
    %div3A = arith.divsi %add3A, %jit3A : i32
    %sign3A = arith.constant 0 : i32
    %sign3A_1 = arith.cmpi sgt, %add3A, %sign3A : i32
    %sign3A_2 = arith.extui %sign3A_1 : i1 to i32
    %sign3A_3 = arith.constant 0 : i32
    %sign3A_4 = arith.cmpi slt, %add3A, %sign3A_3 : i32
    %sign3A_5 = arith.extui %sign3A_4 : i1 to i32
    %sign3A_6 = arith.subi %sign3A_2, %sign3A_5 : i32
    %sign3A_7 = arith.constant 0 : i32
    %sign3A_8 = arith.cmpi sgt, %jit3A, %sign3A_7 : i32
    %sign3A_9 = arith.extui %sign3A_8 : i1 to i32
    %sign3A_10 = arith.constant 0 : i32
    %sign3A_11 = arith.cmpi slt, %jit3A, %sign3A_10 : i32
    %sign3A_12 = arith.extui %sign3A_11 : i1 to i32
    %sign3A_13 = arith.subi %sign3A_9, %sign3A_12 : i32
    %ne3A = arith.cmpi ne, %sign3A_6, %sign3A_13 : i32
    %rem3A = arith.remsi %add3A, %jit3A : i32
    %ne3A_14 = arith.constant 0 : i32
    %ne3A_15 = arith.cmpi ne, %rem3A, %ne3A_14 : i32
    %and3A = arith.andi %ne3A, %ne3A_15 : i1
    %sub3A = arith.constant 1 : i32
    %sub3A_16 = arith.subi %div3A, %sub3A : i32
    %select_n3A = arith.select %and3A, %sub3A_16, %div3A : i32
    %jit3A_17 = arith.constant 2 : i32
    %eq3A = arith.constant 0 : i32
    %eq3A_18 = arith.cmpi eq, %jit3A_17, %eq3A : i32
    %jit3A_19 = arith.constant 1 : i32
    %select_n3A_20 = arith.select %eq3A_18, %jit3A_19, %jit3A_17 : i32
    %rem3A_21 = arith.remsi %add3A, %select_n3A_20 : i32
    %ne3A_22 = arith.constant 0 : i32
    %ne3A_23 = arith.cmpi ne, %rem3A_21, %ne3A_22 : i32
    %lt3A = arith.constant 0 : i32
    %lt3A_24 = arith.cmpi slt, %rem3A_21, %lt3A : i32
    %lt3A_25 = arith.constant 0 : i32
    %lt3A_26 = arith.cmpi slt, %select_n3A_20, %lt3A_25 : i32
    %ne3A_27 = arith.xori %lt3A_24, %lt3A_26 : i1
    %and3A_28 = arith.andi %ne3A_27, %ne3A_23 : i1
    %add3A_29 = arith.addi %rem3A_21, %select_n3A_20 : i32
    %select_n3A_30 = arith.select %and3A_28, %add3A_29, %rem3A_21 : i32
    "tpu.region"() ({
      %run_scoped3A = tpu.sem_alloc : memref<!tpu.dma_semaphore, #tpu.memory_space<semaphore_mem>>
      %dma_start3A = arith.constant 0 : i32
      %dma_start3A_494 = tpu.memref_slice %arg2[%select_n3A, %dma_start3A] : memref<16x24576xf32, #tpu.memory_space<hbm>> -> memref<1x24576xf32, #tpu.memory_space<hbm>>
      %dma_start3A_495 = tpu.memref_squeeze %dma_start3A_494 : memref<1x24576xf32, #tpu.memory_space<hbm>> -> memref<24576xf32, #tpu.memory_space<hbm>>
      %dma_start3A_496 = arith.constant 0 : i32
      %dma_start3A_497 = tpu.memref_slice %arg2[%select_n3A, %dma_start3A_496] : memref<16x24576xf32, #tpu.memory_space<hbm>> -> memref<1x24576xf32, #tpu.memory_space<hbm>>
      %dma_start3A_498 = tpu.memref_squeeze %dma_start3A_497 : memref<1x24576xf32, #tpu.memory_space<hbm>> -> memref<24576xf32, #tpu.memory_space<hbm>>
      tpu.enqueue_dma source(%dma_start3A_498 : memref<24576xf32, #tpu.memory_space<hbm>>) target(%arg5 : memref<24576xf32, #tpu.memory_space<vmem>>) target_semaphore(%run_scoped3A : memref<!tpu.dma_semaphore, #tpu.memory_space<semaphore_mem>>)
      %dma_wait3A = arith.constant 0 : i32
      %dma_wait3A_499 = tpu.memref_slice %arg2[%select_n3A, %dma_wait3A] : memref<16x24576xf32, #tpu.memory_space<hbm>> -> memref<1x24576xf32, #tpu.memory_space<hbm>>
      %dma_wait3A_500 = tpu.memref_squeeze %dma_wait3A_499 : memref<1x24576xf32, #tpu.memory_space<hbm>> -> memref<24576xf32, #tpu.memory_space<hbm>>
      %dma_wait3A_501 = arith.constant 0 : i32
      %dma_wait3A_502 = tpu.memref_slice %arg2[%select_n3A, %dma_wait3A_501] : memref<16x24576xf32, #tpu.memory_space<hbm>> -> memref<1x24576xf32, #tpu.memory_space<hbm>>
      %dma_wait3A_503 = tpu.memref_squeeze %dma_wait3A_502 : memref<1x24576xf32, #tpu.memory_space<hbm>> -> memref<24576xf32, #tpu.memory_space<hbm>>
      tpu.wait_dma2 semaphore(%run_scoped3A : memref<!tpu.dma_semaphore, #tpu.memory_space<semaphore_mem>>) src(%dma_wait3A_503 : memref<24576xf32, #tpu.memory_space<hbm>>) dst(%arg5 : memref<24576xf32, #tpu.memory_space<vmem>>)
      tpu.yield
    }) : () -> ()
    %mul3A_31 = arith.constant 256 : i32
    %mul3A_32 = arith.muli %select_n3A_30, %mul3A_31 : i32
    "tpu.region"() ({
      %run_scoped3A = tpu.sem_alloc : memref<!tpu.dma_semaphore, #tpu.memory_space<semaphore_mem>>
      %dma_start3A = tpu.memref_slice %arg3[%select_n3A, %mul3A_32] : memref<16x512xi32, #tpu.memory_space<hbm>> -> memref<1x256xi32, #tpu.memory_space<hbm>>
      %dma_start3A_494 = tpu.memref_squeeze %dma_start3A : memref<1x256xi32, #tpu.memory_space<hbm>> -> memref<256xi32, #tpu.memory_space<hbm>>
      %dma_start3A_495 = tpu.memref_slice %arg3[%select_n3A, %mul3A_32] : memref<16x512xi32, #tpu.memory_space<hbm>> -> memref<1x256xi32, #tpu.memory_space<hbm>>
      %dma_start3A_496 = tpu.memref_squeeze %dma_start3A_495 : memref<1x256xi32, #tpu.memory_space<hbm>> -> memref<256xi32, #tpu.memory_space<hbm>>
      tpu.enqueue_dma source(%dma_start3A_496 : memref<256xi32, #tpu.memory_space<hbm>>) target(%arg6 : memref<256xi32, #tpu.memory_space<vmem>>) target_semaphore(%run_scoped3A : memref<!tpu.dma_semaphore, #tpu.memory_space<semaphore_mem>>)
      %dma_wait3A = tpu.memref_slice %arg3[%select_n3A, %mul3A_32] : memref<16x512xi32, #tpu.memory_space<hbm>> -> memref<1x256xi32, #tpu.memory_space<hbm>>
      %dma_wait3A_497 = tpu.memref_squeeze %dma_wait3A : memref<1x256xi32, #tpu.memory_space<hbm>> -> memref<256xi32, #tpu.memory_space<hbm>>
      %dma_wait3A_498 = tpu.memref_slice %arg3[%select_n3A, %mul3A_32] : memref<16x512xi32, #tpu.memory_space<hbm>> -> memref<1x256xi32, #tpu.memory_space<hbm>>
      %dma_wait3A_499 = tpu.memref_squeeze %dma_wait3A_498 : memref<1x256xi32, #tpu.memory_space<hbm>> -> memref<256xi32, #tpu.memory_space<hbm>>
      tpu.wait_dma2 semaphore(%run_scoped3A : memref<!tpu.dma_semaphore, #tpu.memory_space<semaphore_mem>>) src(%dma_wait3A_499 : memref<256xi32, #tpu.memory_space<hbm>>) dst(%arg6 : memref<256xi32, #tpu.memory_space<vmem>>)
      tpu.yield
    }) : () -> ()
    %get3A = arith.constant 0 : index
    %get3A_33 = tpu.vector_load %arg6[%get3A] {strides = array<i32>} : memref<256xi32, #tpu.memory_space<vmem>>, vector<16xi32>,
    %mul3A_34 = arith.constant 3 : i32
    %mul3A_35 = vector.broadcast %mul3A_34 : i32 to vector<16xi32>
    %mul3A_36 = arith.muli %get3A_33, %mul3A_35 : vector<16xi32>
    %add3A_37 = arith.constant 0 : i32
    %add3A_38 = vector.broadcast %add3A_37 : i32 to vector<16xi32>
    %add3A_39 = arith.addi %mul3A_36, %add3A_38 : vector<16xi32>
    %gather3A = tpu.vector_load_idx %arg5[%add3A_39] : memref<24576xf32, #tpu.memory_space<vmem>>[vector<16xi32>], vector<16xf32>,
    %swap3A = arith.constant 0 : i32
    %swap3A_40 = arith.index_cast %swap3A : i32 to index
    %swap3A_41 = arith.constant 0 : index
    %swap3A_42 = tpu.vector_load %arg7[%swap3A_40, %swap3A_41] {strides = array<i32>} : memref<3x256xf32, #tpu.memory_space<vmem>>, vector<16xf32>,
    tpu.vector_store %arg7[%swap3A_40, %swap3A_41], %gather3A {strides = array<i32>} : memref<3x256xf32, #tpu.memory_space<vmem>>, vector<16xf32>,
    %add3A_43 = arith.constant 1 : i32
    %add3A_44 = vector.broadcast %add3A_43 : i32 to vector<16xi32>
    %add3A_45 = arith.addi %mul3A_36, %add3A_44 : vector<16xi32>
    %gather3A_46 = tpu.vector_load_idx %arg5[%add3A_45] : memref<24576xf32, #tpu.memory_space<vmem>>[vector<16xi32>], vector<16xf32>,
    %swap3A_47 = arith.constant 1 : i32
    %swap3A_48 = arith.index_cast %swap3A_47 : i32 to index
    %swap3A_49 = arith.constant 0 : index
    %swap3A_50 = tpu.vector_load %arg7[%swap3A_48, %swap3A_49] {strides = array<i32>} : memref<3x256xf32, #tpu.memory_space<vmem>>, vector<16xf32>,
    tpu.vector_store %arg7[%swap3A_48, %swap3A_49], %gather3A_46 {strides = array<i32>} : memref<3x256xf32, #tpu.memory_space<vmem>>, vector<16xf32>,
    %add3A_51 = arith.constant 2 : i32
    %add3A_52 = vector.broadcast %add3A_51 : i32 to vector<16xi32>
    %add3A_53 = arith.addi %mul3A_36, %add3A_52 : vector<16xi32>
    %gather3A_54 = tpu.vector_load_idx %arg5[%add3A_53] : memref<24576xf32, #tpu.memory_space<vmem>>[vector<16xi32>], vector<16xf32>,
    %swap3A_55 = arith.constant 2 : i32
    %swap3A_56 = arith.index_cast %swap3A_55 : i32 to index
    %swap3A_57 = arith.constant 0 : index
    %swap3A_58 = tpu.vector_load %arg7[%swap3A_56, %swap3A_57] {strides = array<i32>} : memref<3x256xf32, #tpu.memory_space<vmem>>, vector<16xf32>,
    tpu.vector_store %arg7[%swap3A_56, %swap3A_57], %gather3A_54 {strides = array<i32>} : memref<3x256xf32, #tpu.memory_space<vmem>>, vector<16xf32>,
    %get3A_59 = arith.constant 16 : index
    %get3A_60 = tpu.vector_load %arg6[%get3A_59] {strides = array<i32>} : memref<256xi32, #tpu.memory_space<vmem>>, vector<16xi32>,
    %mul3A_61 = arith.constant 3 : i32
    %mul3A_62 = vector.broadcast %mul3A_61 : i32 to vector<16xi32>
    %mul3A_63 = arith.muli %get3A_60, %mul3A_62 : vector<16xi32>
    %add3A_64 = arith.constant 0 : i32
    %add3A_65 = vector.broadcast %add3A_64 : i32 to vector<16xi32>
    %add3A_66 = arith.addi %mul3A_63, %add3A_65 : vector<16xi32>
    %gather3A_67 = tpu.vector_load_idx %arg5[%add3A_66] : memref<24576xf32, #tpu.memory_space<vmem>>[vector<16xi32>], vector<16xf32>,
    %swap3A_68 = arith.constant 0 : i32
    %swap3A_69 = arith.index_cast %swap3A_68 : i32 to index
    %swap3A_70 = arith.constant 16 : index
    %swap3A_71 = tpu.vector_load %arg7[%swap3A_69, %swap3A_70] {strides = array<i32>} : memref<3x256xf32, #tpu.memory_space<vmem>>, vector<16xf32>,
    tpu.vector_store %arg7[%swap3A_69, %swap3A_70], %gather3A_67 {strides = array<i32>} : memref<3x256xf32, #tpu.memory_space<vmem>>, vector<16xf32>,
    %add3A_72 = arith.constant 1 : i32
    %add3A_73 = vector.broadcast %add3A_72 : i32 to vector<16xi32>
    %add3A_74 = arith.addi %mul3A_63, %add3A_73 : vector<16xi32>
    %gather3A_75 = tpu.vector_load_idx %arg5[%add3A_74] : memref<24576xf32, #tpu.memory_space<vmem>>[vector<16xi32>], vector<16xf32>,
    %swap3A_76 = arith.constant 1 : i32
    %swap3A_77 = arith.index_cast %swap3A_76 : i32 to index
    %swap3A_78 = arith.constant 16 : index
    %swap3A_79 = tpu.vector_load %arg7[%swap3A_77, %swap3A_78] {strides = array<i32>} : memref<3x256xf32, #tpu.memory_space<vmem>>, vector<16xf32>,
    tpu.vector_store %arg7[%swap3A_77, %swap3A_78], %gather3A_75 {strides = array<i32>} : memref<3x256xf32, #tpu.memory_space<vmem>>, vector<16xf32>,
    %add3A_80 = arith.constant 2 : i32
    %add3A_81 = vector.broadcast %add3A_80 : i32 to vector<16xi32>
    %add3A_82 = arith.addi %mul3A_63, %add3A_81 : vector<16xi32>
    %gather3A_83 = tpu.vector_load_idx %arg5[%add3A_82] : memref<24576xf32, #tpu.memory_space<vmem>>[vector<16xi32>], vector<16xf32>,
    %swap3A_84 = arith.constant 2 : i32
    %swap3A_85 = arith.index_cast %swap3A_84 : i32 to index
    %swap3A_86 = arith.constant 16 : index
    %swap3A_87 = tpu.vector_load %arg7[%swap3A_85, %swap3A_86] {strides = array<i32>} : memref<3x256xf32, #tpu.memory_space<vmem>>, vector<16xf32>,
    tpu.vector_store %arg7[%swap3A_85, %swap3A_86], %gather3A_83 {strides = array<i32>} : memref<3x256xf32, #tpu.memory_space<vmem>>, vector<16xf32>,
    %get3A_88 = arith.constant 32 : index
    %get3A_89 = tpu.vector_load %arg6[%get3A_88] {strides = array<i32>} : memref<256xi32, #tpu.memory_space<vmem>>, vector<16xi32>,
    %mul3A_90 = arith.constant 3 : i32
    %mul3A_91 = vector.broadcast %mul3A_90 : i32 to vector<16xi32>
    %mul3A_92 = arith.muli %get3A_89, %mul3A_91 : vector<16xi32>
    %add3A_93 = arith.constant 0 : i32
    %add3A_94 = vector.broadcast %add3A_93 : i32 to vector<16xi32>
    %add3A_95 = arith.addi %mul3A_92, %add3A_94 : vector<16xi32>
    %gather3A_96 = tpu.vector_load_idx %arg5[%add3A_95] : memref<24576xf32, #tpu.memory_space<vmem>>[vector<16xi32>], vector<16xf32>,
    %swap3A_97 = arith.constant 0 : i32
    %swap3A_98 = arith.index_cast %swap3A_97 : i32 to index
    %swap3A_99 = arith.constant 32 : index
    %swap3A_100 = tpu.vector_load %arg7[%swap3A_98, %swap3A_99] {strides = array<i32>} : memref<3x256xf32, #tpu.memory_space<vmem>>, vector<16xf32>,
    tpu.vector_store %arg7[%swap3A_98, %swap3A_99], %gather3A_96 {strides = array<i32>} : memref<3x256xf32, #tpu.memory_space<vmem>>, vector<16xf32>,
    %add3A_101 = arith.constant 1 : i32
    %add3A_102 = vector.broadcast %add3A_101 : i32 to vector<16xi32>
    %add3A_103 = arith.addi %mul3A_92, %add3A_102 : vector<16xi32>
    %gather3A_104 = tpu.vector_load_idx %arg5[%add3A_103] : memref<24576xf32, #tpu.memory_space<vmem>>[vector<16xi32>], vector<16xf32>,
    %swap3A_105 = arith.constant 1 : i32
    %swap3A_106 = arith.index_cast %swap3A_105 : i32 to index
    %swap3A_107 = arith.constant 32 : index
    %swap3A_108 = tpu.vector_load %arg7[%swap3A_106, %swap3A_107] {strides = array<i32>} : memref<3x256xf32, #tpu.memory_space<vmem>>, vector<16xf32>,
    tpu.vector_store %arg7[%swap3A_106, %swap3A_107], %gather3A_104 {strides = array<i32>} : memref<3x256xf32, #tpu.memory_space<vmem>>, vector<16xf32>,
    %add3A_109 = arith.constant 2 : i32
    %add3A_110 = vector.broadcast %add3A_109 : i32 to vector<16xi32>
    %add3A_111 = arith.addi %mul3A_92, %add3A_110 : vector<16xi32>
    %gather3A_112 = tpu.vector_load_idx %arg5[%add3A_111] : memref<24576xf32, #tpu.memory_space<vmem>>[vector<16xi32>], vector<16xf32>,
    %swap3A_113 = arith.constant 2 : i32
    %swap3A_114 = arith.index_cast %swap3A_113 : i32 to index
    %swap3A_115 = arith.constant 32 : index
    %swap3A_116 = tpu.vector_load %arg7[%swap3A_114, %swap3A_115] {strides = array<i32>} : memref<3x256xf32, #tpu.memory_space<vmem>>, vector<16xf32>,
    tpu.vector_store %arg7[%swap3A_114, %swap3A_115], %gather3A_112 {strides = array<i32>} : memref<3x256xf32, #tpu.memory_space<vmem>>, vector<16xf32>,
    %get3A_117 = arith.constant 48 : index
    %get3A_118 = tpu.vector_load %arg6[%get3A_117] {strides = array<i32>} : memref<256xi32, #tpu.memory_space<vmem>>, vector<16xi32>,
    %mul3A_119 = arith.constant 3 : i32
    %mul3A_120 = vector.broadcast %mul3A_119 : i32 to vector<16xi32>
    %mul3A_121 = arith.muli %get3A_118, %mul3A_120 : vector<16xi32>
    %add3A_122 = arith.constant 0 : i32
    %add3A_123 = vector.broadcast %add3A_122 : i32 to vector<16xi32>
    %add3A_124 = arith.addi %mul3A_121, %add3A_123 : vector<16xi32>
    %gather3A_125 = tpu.vector_load_idx %arg5[%add3A_124] : memref<24576xf32, #tpu.memory_space<vmem>>[vector<16xi32>], vector<16xf32>,
    %swap3A_126 = arith.constant 0 : i32
    %swap3A_127 = arith.index_cast %swap3A_126 : i32 to index
    %swap3A_128 = arith.constant 48 : index
    %swap3A_129 = tpu.vector_load %arg7[%swap3A_127, %swap3A_128] {strides = array<i32>} : memref<3x256xf32, #tpu.memory_space<vmem>>, vector<16xf32>,
    tpu.vector_store %arg7[%swap3A_127, %swap3A_128], %gather3A_125 {strides = array<i32>} : memref<3x256xf32, #tpu.memory_space<vmem>>, vector<16xf32>,
    %add3A_130 = arith.constant 1 : i32
    %add3A_131 = vector.broadcast %add3A_130 : i32 to vector<16xi32>
    %add3A_132 = arith.addi %mul3A_121, %add3A_131 : vector<16xi32>
    %gather3A_133 = tpu.vector_load_idx %arg5[%add3A_132] : memref<24576xf32, #tpu.memory_space<vmem>>[vector<16xi32>], vector<16xf32>,
    %swap3A_134 = arith.constant 1 : i32
    %swap3A_135 = arith.index_cast %swap3A_134 : i32 to index
    %swap3A_136 = arith.constant 48 : index
    %swap3A_137 = tpu.vector_load %arg7[%swap3A_135, %swap3A_136] {strides = array<i32>} : memref<3x256xf32, #tpu.memory_space<vmem>>, vector<16xf32>,
    tpu.vector_store %arg7[%swap3A_135, %swap3A_136], %gather3A_133 {strides = array<i32>} : memref<3x256xf32, #tpu.memory_space<vmem>>, vector<16xf32>,
    %add3A_138 = arith.constant 2 : i32
    %add3A_139 = vector.broadcast %add3A_138 : i32 to vector<16xi32>
    %add3A_140 = arith.addi %mul3A_121, %add3A_139 : vector<16xi32>
    %gather3A_141 = tpu.vector_load_idx %arg5[%add3A_140] : memref<24576xf32, #tpu.memory_space<vmem>>[vector<16xi32>], vector<16xf32>,
    %swap3A_142 = arith.constant 2 : i32
    %swap3A_143 = arith.index_cast %swap3A_142 : i32 to index
    %swap3A_144 = arith.constant 48 : index
    %swap3A_145 = tpu.vector_load %arg7[%swap3A_143, %swap3A_144] {strides = array<i32>} : memref<3x256xf32, #tpu.memory_space<vmem>>, vector<16xf32>,
    tpu.vector_store %arg7[%swap3A_143, %swap3A_144], %gather3A_141 {strides = array<i32>} : memref<3x256xf32, #tpu.memory_space<vmem>>, vector<16xf32>,
    %get3A_146 = arith.constant 64 : index
    %get3A_147 = tpu.vector_load %arg6[%get3A_146] {strides = array<i32>} : memref<256xi32, #tpu.memory_space<vmem>>, vector<16xi32>,
    %mul3A_148 = arith.constant 3 : i32
    %mul3A_149 = vector.broadcast %mul3A_148 : i32 to vector<16xi32>
    %mul3A_150 = arith.muli %get3A_147, %mul3A_149 : vector<16xi32>
    %add3A_151 = arith.constant 0 : i32
    %add3A_152 = vector.broadcast %add3A_151 : i32 to vector<16xi32>
    %add3A_153 = arith.addi %mul3A_150, %add3A_152 : vector<16xi32>
    %gather3A_154 = tpu.vector_load_idx %arg5[%add3A_153] : memref<24576xf32, #tpu.memory_space<vmem>>[vector<16xi32>], vector<16xf32>,
    %swap3A_155 = arith.constant 0 : i32
    %swap3A_156 = arith.index_cast %swap3A_155 : i32 to index
    %swap3A_157 = arith.constant 64 : index
    %swap3A_158 = tpu.vector_load %arg7[%swap3A_156, %swap3A_157] {strides = array<i32>} : memref<3x256xf32, #tpu.memory_space<vmem>>, vector<16xf32>,
    tpu.vector_store %arg7[%swap3A_156, %swap3A_157], %gather3A_154 {strides = array<i32>} : memref<3x256xf32, #tpu.memory_space<vmem>>, vector<16xf32>,
    %add3A_159 = arith.constant 1 : i32
    %add3A_160 = vector.broadcast %add3A_159 : i32 to vector<16xi32>
    %add3A_161 = arith.addi %mul3A_150, %add3A_160 : vector<16xi32>
    %gather3A_162 = tpu.vector_load_idx %arg5[%add3A_161] : memref<24576xf32, #tpu.memory_space<vmem>>[vector<16xi32>], vector<16xf32>,
    %swap3A_163 = arith.constant 1 : i32
    %swap3A_164 = arith.index_cast %swap3A_163 : i32 to index
    %swap3A_165 = arith.constant 64 : index
    %swap3A_166 = tpu.vector_load %arg7[%swap3A_164, %swap3A_165] {strides = array<i32>} : memref<3x256xf32, #tpu.memory_space<vmem>>, vector<16xf32>,
    tpu.vector_store %arg7[%swap3A_164, %swap3A_165], %gather3A_162 {strides = array<i32>} : memref<3x256xf32, #tpu.memory_space<vmem>>, vector<16xf32>,
    %add3A_167 = arith.constant 2 : i32
    %add3A_168 = vector.broadcast %add3A_167 : i32 to vector<16xi32>
    %add3A_169 = arith.addi %mul3A_150, %add3A_168 : vector<16xi32>
    %gather3A_170 = tpu.vector_load_idx %arg5[%add3A_169] : memref<24576xf32, #tpu.memory_space<vmem>>[vector<16xi32>], vector<16xf32>,
    %swap3A_171 = arith.constant 2 : i32
    %swap3A_172 = arith.index_cast %swap3A_171 : i32 to index
    %swap3A_173 = arith.constant 64 : index
    %swap3A_174 = tpu.vector_load %arg7[%swap3A_172, %swap3A_173] {strides = array<i32>} : memref<3x256xf32, #tpu.memory_space<vmem>>, vector<16xf32>,
    tpu.vector_store %arg7[%swap3A_172, %swap3A_173], %gather3A_170 {strides = array<i32>} : memref<3x256xf32, #tpu.memory_space<vmem>>, vector<16xf32>,
    %get3A_175 = arith.constant 80 : index
    %get3A_176 = tpu.vector_load %arg6[%get3A_175] {strides = array<i32>} : memref<256xi32, #tpu.memory_space<vmem>>, vector<16xi32>,
    %mul3A_177 = arith.constant 3 : i32
    %mul3A_178 = vector.broadcast %mul3A_177 : i32 to vector<16xi32>
    %mul3A_179 = arith.muli %get3A_176, %mul3A_178 : vector<16xi32>
    %add3A_180 = arith.constant 0 : i32
    %add3A_181 = vector.broadcast %add3A_180 : i32 to vector<16xi32>
    %add3A_182 = arith.addi %mul3A_179, %add3A_181 : vector<16xi32>
    %gather3A_183 = tpu.vector_load_idx %arg5[%add3A_182] : memref<24576xf32, #tpu.memory_space<vmem>>[vector<16xi32>], vector<16xf32>,
    %swap3A_184 = arith.constant 0 : i32
    %swap3A_185 = arith.index_cast %swap3A_184 : i32 to index
    %swap3A_186 = arith.constant 80 : index
    %swap3A_187 = tpu.vector_load %arg7[%swap3A_185, %swap3A_186] {strides = array<i32>} : memref<3x256xf32, #tpu.memory_space<vmem>>, vector<16xf32>,
    tpu.vector_store %arg7[%swap3A_185, %swap3A_186], %gather3A_183 {strides = array<i32>} : memref<3x256xf32, #tpu.memory_space<vmem>>, vector<16xf32>,
    %add3A_188 = arith.constant 1 : i32
    %add3A_189 = vector.broadcast %add3A_188 : i32 to vector<16xi32>
    %add3A_190 = arith.addi %mul3A_179, %add3A_189 : vector<16xi32>
    %gather3A_191 = tpu.vector_load_idx %arg5[%add3A_190] : memref<24576xf32, #tpu.memory_space<vmem>>[vector<16xi32>], vector<16xf32>,
    %swap3A_192 = arith.constant 1 : i32
    %swap3A_193 = arith.index_cast %swap3A_192 : i32 to index
    %swap3A_194 = arith.constant 80 : index
    %swap3A_195 = tpu.vector_load %arg7[%swap3A_193, %swap3A_194] {strides = array<i32>} : memref<3x256xf32, #tpu.memory_space<vmem>>, vector<16xf32>,
    tpu.vector_store %arg7[%swap3A_193, %swap3A_194], %gather3A_191 {strides = array<i32>} : memref<3x256xf32, #tpu.memory_space<vmem>>, vector<16xf32>,
    %add3A_196 = arith.constant 2 : i32
    %add3A_197 = vector.broadcast %add3A_196 : i32 to vector<16xi32>
    %add3A_198 = arith.addi %mul3A_179, %add3A_197 : vector<16xi32>
    %gather3A_199 = tpu.vector_load_idx %arg5[%add3A_198] : memref<24576xf32, #tpu.memory_space<vmem>>[vector<16xi32>], vector<16xf32>,
    %swap3A_200 = arith.constant 2 : i32
    %swap3A_201 = arith.index_cast %swap3A_200 : i32 to index
    %swap3A_202 = arith.constant 80 : index
    %swap3A_203 = tpu.vector_load %arg7[%swap3A_201, %swap3A_202] {strides = array<i32>} : memref<3x256xf32, #tpu.memory_space<vmem>>, vector<16xf32>,
    tpu.vector_store %arg7[%swap3A_201, %swap3A_202], %gather3A_199 {strides = array<i32>} : memref<3x256xf32, #tpu.memory_space<vmem>>, vector<16xf32>,
    %get3A_204 = arith.constant 96 : index
    %get3A_205 = tpu.vector_load %arg6[%get3A_204] {strides = array<i32>} : memref<256xi32, #tpu.memory_space<vmem>>, vector<16xi32>,
    %mul3A_206 = arith.constant 3 : i32
    %mul3A_207 = vector.broadcast %mul3A_206 : i32 to vector<16xi32>
    %mul3A_208 = arith.muli %get3A_205, %mul3A_207 : vector<16xi32>
    %add3A_209 = arith.constant 0 : i32
    %add3A_210 = vector.broadcast %add3A_209 : i32 to vector<16xi32>
    %add3A_211 = arith.addi %mul3A_208, %add3A_210 : vector<16xi32>
    %gather3A_212 = tpu.vector_load_idx %arg5[%add3A_211] : memref<24576xf32, #tpu.memory_space<vmem>>[vector<16xi32>], vector<16xf32>,
    %swap3A_213 = arith.constant 0 : i32
    %swap3A_214 = arith.index_cast %swap3A_213 : i32 to index
    %swap3A_215 = arith.constant 96 : index
    %swap3A_216 = tpu.vector_load %arg7[%swap3A_214, %swap3A_215] {strides = array<i32>} : memref<3x256xf32, #tpu.memory_space<vmem>>, vector<16xf32>,
    tpu.vector_store %arg7[%swap3A_214, %swap3A_215], %gather3A_212 {strides = array<i32>} : memref<3x256xf32, #tpu.memory_space<vmem>>, vector<16xf32>,
    %add3A_217 = arith.constant 1 : i32
    %add3A_218 = vector.broadcast %add3A_217 : i32 to vector<16xi32>
    %add3A_219 = arith.addi %mul3A_208, %add3A_218 : vector<16xi32>
    %gather3A_220 = tpu.vector_load_idx %arg5[%add3A_219] : memref<24576xf32, #tpu.memory_space<vmem>>[vector<16xi32>], vector<16xf32>,
    %swap3A_221 = arith.constant 1 : i32
    %swap3A_222 = arith.index_cast %swap3A_221 : i32 to index
    %swap3A_223 = arith.constant 96 : index
    %swap3A_224 = tpu.vector_load %arg7[%swap3A_222, %swap3A_223] {strides = array<i32>} : memref<3x256xf32, #tpu.memory_space<vmem>>, vector<16xf32>,
    tpu.vector_store %arg7[%swap3A_222, %swap3A_223], %gather3A_220 {strides = array<i32>} : memref<3x256xf32, #tpu.memory_space<vmem>>, vector<16xf32>,
    %add3A_225 = arith.constant 2 : i32
    %add3A_226 = vector.broadcast %add3A_225 : i32 to vector<16xi32>
    %add3A_227 = arith.addi %mul3A_208, %add3A_226 : vector<16xi32>
    %gather3A_228 = tpu.vector_load_idx %arg5[%add3A_227] : memref<24576xf32, #tpu.memory_space<vmem>>[vector<16xi32>], vector<16xf32>,
    %swap3A_229 = arith.constant 2 : i32
    %swap3A_230 = arith.index_cast %swap3A_229 : i32 to index
    %swap3A_231 = arith.constant 96 : index
    %swap3A_232 = tpu.vector_load %arg7[%swap3A_230, %swap3A_231] {strides = array<i32>} : memref<3x256xf32, #tpu.memory_space<vmem>>, vector<16xf32>,
    tpu.vector_store %arg7[%swap3A_230, %swap3A_231], %gather3A_228 {strides = array<i32>} : memref<3x256xf32, #tpu.memory_space<vmem>>, vector<16xf32>,
    %get3A_233 = arith.constant 112 : index
    %get3A_234 = tpu.vector_load %arg6[%get3A_233] {strides = array<i32>} : memref<256xi32, #tpu.memory_space<vmem>>, vector<16xi32>,
    %mul3A_235 = arith.constant 3 : i32
    %mul3A_236 = vector.broadcast %mul3A_235 : i32 to vector<16xi32>
    %mul3A_237 = arith.muli %get3A_234, %mul3A_236 : vector<16xi32>
    %add3A_238 = arith.constant 0 : i32
    %add3A_239 = vector.broadcast %add3A_238 : i32 to vector<16xi32>
    %add3A_240 = arith.addi %mul3A_237, %add3A_239 : vector<16xi32>
    %gather3A_241 = tpu.vector_load_idx %arg5[%add3A_240] : memref<24576xf32, #tpu.memory_space<vmem>>[vector<16xi32>], vector<16xf32>,
    %swap3A_242 = arith.constant 0 : i32
    %swap3A_243 = arith.index_cast %swap3A_242 : i32 to index
    %swap3A_244 = arith.constant 112 : index
    %swap3A_245 = tpu.vector_load %arg7[%swap3A_243, %swap3A_244] {strides = array<i32>} : memref<3x256xf32, #tpu.memory_space<vmem>>, vector<16xf32>,
    tpu.vector_store %arg7[%swap3A_243, %swap3A_244], %gather3A_241 {strides = array<i32>} : memref<3x256xf32, #tpu.memory_space<vmem>>, vector<16xf32>,
    %add3A_246 = arith.constant 1 : i32
    %add3A_247 = vector.broadcast %add3A_246 : i32 to vector<16xi32>
    %add3A_248 = arith.addi %mul3A_237, %add3A_247 : vector<16xi32>
    %gather3A_249 = tpu.vector_load_idx %arg5[%add3A_248] : memref<24576xf32, #tpu.memory_space<vmem>>[vector<16xi32>], vector<16xf32>,
    %swap3A_250 = arith.constant 1 : i32
    %swap3A_251 = arith.index_cast %swap3A_250 : i32 to index
    %swap3A_252 = arith.constant 112 : index
    %swap3A_253 = tpu.vector_load %arg7[%swap3A_251, %swap3A_252] {strides = array<i32>} : memref<3x256xf32, #tpu.memory_space<vmem>>, vector<16xf32>,
    tpu.vector_store %arg7[%swap3A_251, %swap3A_252], %gather3A_249 {strides = array<i32>} : memref<3x256xf32, #tpu.memory_space<vmem>>, vector<16xf32>,
    %add3A_254 = arith.constant 2 : i32
    %add3A_255 = vector.broadcast %add3A_254 : i32 to vector<16xi32>
    %add3A_256 = arith.addi %mul3A_237, %add3A_255 : vector<16xi32>
    %gather3A_257 = tpu.vector_load_idx %arg5[%add3A_256] : memref<24576xf32, #tpu.memory_space<vmem>>[vector<16xi32>], vector<16xf32>,
    %swap3A_258 = arith.constant 2 : i32
    %swap3A_259 = arith.index_cast %swap3A_258 : i32 to index
    %swap3A_260 = arith.constant 112 : index
    %swap3A_261 = tpu.vector_load %arg7[%swap3A_259, %swap3A_260] {strides = array<i32>} : memref<3x256xf32, #tpu.memory_space<vmem>>, vector<16xf32>,
    tpu.vector_store %arg7[%swap3A_259, %swap3A_260], %gather3A_257 {strides = array<i32>} : memref<3x256xf32, #tpu.memory_space<vmem>>, vector<16xf32>,
    %get3A_262 = arith.constant 128 : index
    %get3A_263 = tpu.vector_load %arg6[%get3A_262] {strides = array<i32>} : memref<256xi32, #tpu.memory_space<vmem>>, vector<16xi32>,
    %mul3A_264 = arith.constant 3 : i32
    %mul3A_265 = vector.broadcast %mul3A_264 : i32 to vector<16xi32>
    %mul3A_266 = arith.muli %get3A_263, %mul3A_265 : vector<16xi32>
    %add3A_267 = arith.constant 0 : i32
    %add3A_268 = vector.broadcast %add3A_267 : i32 to vector<16xi32>
    %add3A_269 = arith.addi %mul3A_266, %add3A_268 : vector<16xi32>
    %gather3A_270 = tpu.vector_load_idx %arg5[%add3A_269] : memref<24576xf32, #tpu.memory_space<vmem>>[vector<16xi32>], vector<16xf32>,
    %swap3A_271 = arith.constant 0 : i32
    %swap3A_272 = arith.index_cast %swap3A_271 : i32 to index
    %swap3A_273 = arith.constant 128 : index
    %swap3A_274 = tpu.vector_load %arg7[%swap3A_272, %swap3A_273] {strides = array<i32>} : memref<3x256xf32, #tpu.memory_space<vmem>>, vector<16xf32>,
    tpu.vector_store %arg7[%swap3A_272, %swap3A_273], %gather3A_270 {strides = array<i32>} : memref<3x256xf32, #tpu.memory_space<vmem>>, vector<16xf32>,
    %add3A_275 = arith.constant 1 : i32
    %add3A_276 = vector.broadcast %add3A_275 : i32 to vector<16xi32>
    %add3A_277 = arith.addi %mul3A_266, %add3A_276 : vector<16xi32>
    %gather3A_278 = tpu.vector_load_idx %arg5[%add3A_277] : memref<24576xf32, #tpu.memory_space<vmem>>[vector<16xi32>], vector<16xf32>,
    %swap3A_279 = arith.constant 1 : i32
    %swap3A_280 = arith.index_cast %swap3A_279 : i32 to index
    %swap3A_281 = arith.constant 128 : index
    %swap3A_282 = tpu.vector_load %arg7[%swap3A_280, %swap3A_281] {strides = array<i32>} : memref<3x256xf32, #tpu.memory_space<vmem>>, vector<16xf32>,
    tpu.vector_store %arg7[%swap3A_280, %swap3A_281], %gather3A_278 {strides = array<i32>} : memref<3x256xf32, #tpu.memory_space<vmem>>, vector<16xf32>,
    %add3A_283 = arith.constant 2 : i32
    %add3A_284 = vector.broadcast %add3A_283 : i32 to vector<16xi32>
    %add3A_285 = arith.addi %mul3A_266, %add3A_284 : vector<16xi32>
    %gather3A_286 = tpu.vector_load_idx %arg5[%add3A_285] : memref<24576xf32, #tpu.memory_space<vmem>>[vector<16xi32>], vector<16xf32>,
    %swap3A_287 = arith.constant 2 : i32
    %swap3A_288 = arith.index_cast %swap3A_287 : i32 to index
    %swap3A_289 = arith.constant 128 : index
    %swap3A_290 = tpu.vector_load %arg7[%swap3A_288, %swap3A_289] {strides = array<i32>} : memref<3x256xf32, #tpu.memory_space<vmem>>, vector<16xf32>,
    tpu.vector_store %arg7[%swap3A_288, %swap3A_289], %gather3A_286 {strides = array<i32>} : memref<3x256xf32, #tpu.memory_space<vmem>>, vector<16xf32>,
    %get3A_291 = arith.constant 144 : index
    %get3A_292 = tpu.vector_load %arg6[%get3A_291] {strides = array<i32>} : memref<256xi32, #tpu.memory_space<vmem>>, vector<16xi32>,
    %mul3A_293 = arith.constant 3 : i32
    %mul3A_294 = vector.broadcast %mul3A_293 : i32 to vector<16xi32>
    %mul3A_295 = arith.muli %get3A_292, %mul3A_294 : vector<16xi32>
    %add3A_296 = arith.constant 0 : i32
    %add3A_297 = vector.broadcast %add3A_296 : i32 to vector<16xi32>
    %add3A_298 = arith.addi %mul3A_295, %add3A_297 : vector<16xi32>
    %gather3A_299 = tpu.vector_load_idx %arg5[%add3A_298] : memref<24576xf32, #tpu.memory_space<vmem>>[vector<16xi32>], vector<16xf32>,
    %swap3A_300 = arith.constant 0 : i32
    %swap3A_301 = arith.index_cast %swap3A_300 : i32 to index
    %swap3A_302 = arith.constant 144 : index
    %swap3A_303 = tpu.vector_load %arg7[%swap3A_301, %swap3A_302] {strides = array<i32>} : memref<3x256xf32, #tpu.memory_space<vmem>>, vector<16xf32>,
    tpu.vector_store %arg7[%swap3A_301, %swap3A_302], %gather3A_299 {strides = array<i32>} : memref<3x256xf32, #tpu.memory_space<vmem>>, vector<16xf32>,
    %add3A_304 = arith.constant 1 : i32
    %add3A_305 = vector.broadcast %add3A_304 : i32 to vector<16xi32>
    %add3A_306 = arith.addi %mul3A_295, %add3A_305 : vector<16xi32>
    %gather3A_307 = tpu.vector_load_idx %arg5[%add3A_306] : memref<24576xf32, #tpu.memory_space<vmem>>[vector<16xi32>], vector<16xf32>,
    %swap3A_308 = arith.constant 1 : i32
    %swap3A_309 = arith.index_cast %swap3A_308 : i32 to index
    %swap3A_310 = arith.constant 144 : index
    %swap3A_311 = tpu.vector_load %arg7[%swap3A_309, %swap3A_310] {strides = array<i32>} : memref<3x256xf32, #tpu.memory_space<vmem>>, vector<16xf32>,
    tpu.vector_store %arg7[%swap3A_309, %swap3A_310], %gather3A_307 {strides = array<i32>} : memref<3x256xf32, #tpu.memory_space<vmem>>, vector<16xf32>,
    %add3A_312 = arith.constant 2 : i32
    %add3A_313 = vector.broadcast %add3A_312 : i32 to vector<16xi32>
    %add3A_314 = arith.addi %mul3A_295, %add3A_313 : vector<16xi32>
    %gather3A_315 = tpu.vector_load_idx %arg5[%add3A_314] : memref<24576xf32, #tpu.memory_space<vmem>>[vector<16xi32>], vector<16xf32>,
    %swap3A_316 = arith.constant 2 : i32
    %swap3A_317 = arith.index_cast %swap3A_316 : i32 to index
    %swap3A_318 = arith.constant 144 : index
    %swap3A_319 = tpu.vector_load %arg7[%swap3A_317, %swap3A_318] {strides = array<i32>} : memref<3x256xf32, #tpu.memory_space<vmem>>, vector<16xf32>,
    tpu.vector_store %arg7[%swap3A_317, %swap3A_318], %gather3A_315 {strides = array<i32>} : memref<3x256xf32, #tpu.memory_space<vmem>>, vector<16xf32>,
    %get3A_320 = arith.constant 160 : index
    %get3A_321 = tpu.vector_load %arg6[%get3A_320] {strides = array<i32>} : memref<256xi32, #tpu.memory_space<vmem>>, vector<16xi32>,
    %mul3A_322 = arith.constant 3 : i32
    %mul3A_323 = vector.broadcast %mul3A_322 : i32 to vector<16xi32>
    %mul3A_324 = arith.muli %get3A_321, %mul3A_323 : vector<16xi32>
    %add3A_325 = arith.constant 0 : i32
    %add3A_326 = vector.broadcast %add3A_325 : i32 to vector<16xi32>
    %add3A_327 = arith.addi %mul3A_324, %add3A_326 : vector<16xi32>
    %gather3A_328 = tpu.vector_load_idx %arg5[%add3A_327] : memref<24576xf32, #tpu.memory_space<vmem>>[vector<16xi32>], vector<16xf32>,
    %swap3A_329 = arith.constant 0 : i32
    %swap3A_330 = arith.index_cast %swap3A_329 : i32 to index
    %swap3A_331 = arith.constant 160 : index
    %swap3A_332 = tpu.vector_load %arg7[%swap3A_330, %swap3A_331] {strides = array<i32>} : memref<3x256xf32, #tpu.memory_space<vmem>>, vector<16xf32>,
    tpu.vector_store %arg7[%swap3A_330, %swap3A_331], %gather3A_328 {strides = array<i32>} : memref<3x256xf32, #tpu.memory_space<vmem>>, vector<16xf32>,
    %add3A_333 = arith.constant 1 : i32
    %add3A_334 = vector.broadcast %add3A_333 : i32 to vector<16xi32>
    %add3A_335 = arith.addi %mul3A_324, %add3A_334 : vector<16xi32>
    %gather3A_336 = tpu.vector_load_idx %arg5[%add3A_335] : memref<24576xf32, #tpu.memory_space<vmem>>[vector<16xi32>], vector<16xf32>,
    %swap3A_337 = arith.constant 1 : i32
    %swap3A_338 = arith.index_cast %swap3A_337 : i32 to index
    %swap3A_339 = arith.constant 160 : index
    %swap3A_340 = tpu.vector_load %arg7[%swap3A_338, %swap3A_339] {strides = array<i32>} : memref<3x256xf32, #tpu.memory_space<vmem>>, vector<16xf32>,
    tpu.vector_store %arg7[%swap3A_338, %swap3A_339], %gather3A_336 {strides = array<i32>} : memref<3x256xf32, #tpu.memory_space<vmem>>, vector<16xf32>,
    %add3A_341 = arith.constant 2 : i32
    %add3A_342 = vector.broadcast %add3A_341 : i32 to vector<16xi32>
    %add3A_343 = arith.addi %mul3A_324, %add3A_342 : vector<16xi32>
    %gather3A_344 = tpu.vector_load_idx %arg5[%add3A_343] : memref<24576xf32, #tpu.memory_space<vmem>>[vector<16xi32>], vector<16xf32>,
    %swap3A_345 = arith.constant 2 : i32
    %swap3A_346 = arith.index_cast %swap3A_345 : i32 to index
    %swap3A_347 = arith.constant 160 : index
    %swap3A_348 = tpu.vector_load %arg7[%swap3A_346, %swap3A_347] {strides = array<i32>} : memref<3x256xf32, #tpu.memory_space<vmem>>, vector<16xf32>,
    tpu.vector_store %arg7[%swap3A_346, %swap3A_347], %gather3A_344 {strides = array<i32>} : memref<3x256xf32, #tpu.memory_space<vmem>>, vector<16xf32>,
    %get3A_349 = arith.constant 176 : index
    %get3A_350 = tpu.vector_load %arg6[%get3A_349] {strides = array<i32>} : memref<256xi32, #tpu.memory_space<vmem>>, vector<16xi32>,
    %mul3A_351 = arith.constant 3 : i32
    %mul3A_352 = vector.broadcast %mul3A_351 : i32 to vector<16xi32>
    %mul3A_353 = arith.muli %get3A_350, %mul3A_352 : vector<16xi32>
    %add3A_354 = arith.constant 0 : i32
    %add3A_355 = vector.broadcast %add3A_354 : i32 to vector<16xi32>
    %add3A_356 = arith.addi %mul3A_353, %add3A_355 : vector<16xi32>
    %gather3A_357 = tpu.vector_load_idx %arg5[%add3A_356] : memref<24576xf32, #tpu.memory_space<vmem>>[vector<16xi32>], vector<16xf32>,
    %swap3A_358 = arith.constant 0 : i32
    %swap3A_359 = arith.index_cast %swap3A_358 : i32 to index
    %swap3A_360 = arith.constant 176 : index
    %swap3A_361 = tpu.vector_load %arg7[%swap3A_359, %swap3A_360] {strides = array<i32>} : memref<3x256xf32, #tpu.memory_space<vmem>>, vector<16xf32>,
    tpu.vector_store %arg7[%swap3A_359, %swap3A_360], %gather3A_357 {strides = array<i32>} : memref<3x256xf32, #tpu.memory_space<vmem>>, vector<16xf32>,
    %add3A_362 = arith.constant 1 : i32
    %add3A_363 = vector.broadcast %add3A_362 : i32 to vector<16xi32>
    %add3A_364 = arith.addi %mul3A_353, %add3A_363 : vector<16xi32>
    %gather3A_365 = tpu.vector_load_idx %arg5[%add3A_364] : memref<24576xf32, #tpu.memory_space<vmem>>[vector<16xi32>], vector<16xf32>,
    %swap3A_366 = arith.constant 1 : i32
    %swap3A_367 = arith.index_cast %swap3A_366 : i32 to index
    %swap3A_368 = arith.constant 176 : index
    %swap3A_369 = tpu.vector_load %arg7[%swap3A_367, %swap3A_368] {strides = array<i32>} : memref<3x256xf32, #tpu.memory_space<vmem>>, vector<16xf32>,
    tpu.vector_store %arg7[%swap3A_367, %swap3A_368], %gather3A_365 {strides = array<i32>} : memref<3x256xf32, #tpu.memory_space<vmem>>, vector<16xf32>,
    %add3A_370 = arith.constant 2 : i32
    %add3A_371 = vector.broadcast %add3A_370 : i32 to vector<16xi32>
    %add3A_372 = arith.addi %mul3A_353, %add3A_371 : vector<16xi32>
    %gather3A_373 = tpu.vector_load_idx %arg5[%add3A_372] : memref<24576xf32, #tpu.memory_space<vmem>>[vector<16xi32>], vector<16xf32>,
    %swap3A_374 = arith.constant 2 : i32
    %swap3A_375 = arith.index_cast %swap3A_374 : i32 to index
    %swap3A_376 = arith.constant 176 : index
    %swap3A_377 = tpu.vector_load %arg7[%swap3A_375, %swap3A_376] {strides = array<i32>} : memref<3x256xf32, #tpu.memory_space<vmem>>, vector<16xf32>,
    tpu.vector_store %arg7[%swap3A_375, %swap3A_376], %gather3A_373 {strides = array<i32>} : memref<3x256xf32, #tpu.memory_space<vmem>>, vector<16xf32>,
    %get3A_378 = arith.constant 192 : index
    %get3A_379 = tpu.vector_load %arg6[%get3A_378] {strides = array<i32>} : memref<256xi32, #tpu.memory_space<vmem>>, vector<16xi32>,
    %mul3A_380 = arith.constant 3 : i32
    %mul3A_381 = vector.broadcast %mul3A_380 : i32 to vector<16xi32>
    %mul3A_382 = arith.muli %get3A_379, %mul3A_381 : vector<16xi32>
    %add3A_383 = arith.constant 0 : i32
    %add3A_384 = vector.broadcast %add3A_383 : i32 to vector<16xi32>
    %add3A_385 = arith.addi %mul3A_382, %add3A_384 : vector<16xi32>
    %gather3A_386 = tpu.vector_load_idx %arg5[%add3A_385] : memref<24576xf32, #tpu.memory_space<vmem>>[vector<16xi32>], vector<16xf32>,
    %swap3A_387 = arith.constant 0 : i32
    %swap3A_388 = arith.index_cast %swap3A_387 : i32 to index
    %swap3A_389 = arith.constant 192 : index
    %swap3A_390 = tpu.vector_load %arg7[%swap3A_388, %swap3A_389] {strides = array<i32>} : memref<3x256xf32, #tpu.memory_space<vmem>>, vector<16xf32>,
    tpu.vector_store %arg7[%swap3A_388, %swap3A_389], %gather3A_386 {strides = array<i32>} : memref<3x256xf32, #tpu.memory_space<vmem>>, vector<16xf32>,
    %add3A_391 = arith.constant 1 : i32
    %add3A_392 = vector.broadcast %add3A_391 : i32 to vector<16xi32>
    %add3A_393 = arith.addi %mul3A_382, %add3A_392 : vector<16xi32>
    %gather3A_394 = tpu.vector_load_idx %arg5[%add3A_393] : memref<24576xf32, #tpu.memory_space<vmem>>[vector<16xi32>], vector<16xf32>,
    %swap3A_395 = arith.constant 1 : i32
    %swap3A_396 = arith.index_cast %swap3A_395 : i32 to index
    %swap3A_397 = arith.constant 192 : index
    %swap3A_398 = tpu.vector_load %arg7[%swap3A_396, %swap3A_397] {strides = array<i32>} : memref<3x256xf32, #tpu.memory_space<vmem>>, vector<16xf32>,
    tpu.vector_store %arg7[%swap3A_396, %swap3A_397], %gather3A_394 {strides = array<i32>} : memref<3x256xf32, #tpu.memory_space<vmem>>, vector<16xf32>,
    %add3A_399 = arith.constant 2 : i32
    %add3A_400 = vector.broadcast %add3A_399 : i32 to vector<16xi32>
    %add3A_401 = arith.addi %mul3A_382, %add3A_400 : vector<16xi32>
    %gather3A_402 = tpu.vector_load_idx %arg5[%add3A_401] : memref<24576xf32, #tpu.memory_space<vmem>>[vector<16xi32>], vector<16xf32>,
    %swap3A_403 = arith.constant 2 : i32
    %swap3A_404 = arith.index_cast %swap3A_403 : i32 to index
    %swap3A_405 = arith.constant 192 : index
    %swap3A_406 = tpu.vector_load %arg7[%swap3A_404, %swap3A_405] {strides = array<i32>} : memref<3x256xf32, #tpu.memory_space<vmem>>, vector<16xf32>,
    tpu.vector_store %arg7[%swap3A_404, %swap3A_405], %gather3A_402 {strides = array<i32>} : memref<3x256xf32, #tpu.memory_space<vmem>>, vector<16xf32>,
    %get3A_407 = arith.constant 208 : index
    %get3A_408 = tpu.vector_load %arg6[%get3A_407] {strides = array<i32>} : memref<256xi32, #tpu.memory_space<vmem>>, vector<16xi32>,
    %mul3A_409 = arith.constant 3 : i32
    %mul3A_410 = vector.broadcast %mul3A_409 : i32 to vector<16xi32>
    %mul3A_411 = arith.muli %get3A_408, %mul3A_410 : vector<16xi32>
    %add3A_412 = arith.constant 0 : i32
    %add3A_413 = vector.broadcast %add3A_412 : i32 to vector<16xi32>
    %add3A_414 = arith.addi %mul3A_411, %add3A_413 : vector<16xi32>
    %gather3A_415 = tpu.vector_load_idx %arg5[%add3A_414] : memref<24576xf32, #tpu.memory_space<vmem>>[vector<16xi32>], vector<16xf32>,
    %swap3A_416 = arith.constant 0 : i32
    %swap3A_417 = arith.index_cast %swap3A_416 : i32 to index
    %swap3A_418 = arith.constant 208 : index
    %swap3A_419 = tpu.vector_load %arg7[%swap3A_417, %swap3A_418] {strides = array<i32>} : memref<3x256xf32, #tpu.memory_space<vmem>>, vector<16xf32>,
    tpu.vector_store %arg7[%swap3A_417, %swap3A_418], %gather3A_415 {strides = array<i32>} : memref<3x256xf32, #tpu.memory_space<vmem>>, vector<16xf32>,
    %add3A_420 = arith.constant 1 : i32
    %add3A_421 = vector.broadcast %add3A_420 : i32 to vector<16xi32>
    %add3A_422 = arith.addi %mul3A_411, %add3A_421 : vector<16xi32>
    %gather3A_423 = tpu.vector_load_idx %arg5[%add3A_422] : memref<24576xf32, #tpu.memory_space<vmem>>[vector<16xi32>], vector<16xf32>,
    %swap3A_424 = arith.constant 1 : i32
    %swap3A_425 = arith.index_cast %swap3A_424 : i32 to index
    %swap3A_426 = arith.constant 208 : index
    %swap3A_427 = tpu.vector_load %arg7[%swap3A_425, %swap3A_426] {strides = array<i32>} : memref<3x256xf32, #tpu.memory_space<vmem>>, vector<16xf32>,
    tpu.vector_store %arg7[%swap3A_425, %swap3A_426], %gather3A_423 {strides = array<i32>} : memref<3x256xf32, #tpu.memory_space<vmem>>, vector<16xf32>,
    %add3A_428 = arith.constant 2 : i32
    %add3A_429 = vector.broadcast %add3A_428 : i32 to vector<16xi32>
    %add3A_430 = arith.addi %mul3A_411, %add3A_429 : vector<16xi32>
    %gather3A_431 = tpu.vector_load_idx %arg5[%add3A_430] : memref<24576xf32, #tpu.memory_space<vmem>>[vector<16xi32>], vector<16xf32>,
    %swap3A_432 = arith.constant 2 : i32
    %swap3A_433 = arith.index_cast %swap3A_432 : i32 to index
    %swap3A_434 = arith.constant 208 : index
    %swap3A_435 = tpu.vector_load %arg7[%swap3A_433, %swap3A_434] {strides = array<i32>} : memref<3x256xf32, #tpu.memory_space<vmem>>, vector<16xf32>,
    tpu.vector_store %arg7[%swap3A_433, %swap3A_434], %gather3A_431 {strides = array<i32>} : memref<3x256xf32, #tpu.memory_space<vmem>>, vector<16xf32>,
    %get3A_436 = arith.constant 224 : index
    %get3A_437 = tpu.vector_load %arg6[%get3A_436] {strides = array<i32>} : memref<256xi32, #tpu.memory_space<vmem>>, vector<16xi32>,
    %mul3A_438 = arith.constant 3 : i32
    %mul3A_439 = vector.broadcast %mul3A_438 : i32 to vector<16xi32>
    %mul3A_440 = arith.muli %get3A_437, %mul3A_439 : vector<16xi32>
    %add3A_441 = arith.constant 0 : i32
    %add3A_442 = vector.broadcast %add3A_441 : i32 to vector<16xi32>
    %add3A_443 = arith.addi %mul3A_440, %add3A_442 : vector<16xi32>
    %gather3A_444 = tpu.vector_load_idx %arg5[%add3A_443] : memref<24576xf32, #tpu.memory_space<vmem>>[vector<16xi32>], vector<16xf32>,
    %swap3A_445 = arith.constant 0 : i32
    %swap3A_446 = arith.index_cast %swap3A_445 : i32 to index
    %swap3A_447 = arith.constant 224 : index
    %swap3A_448 = tpu.vector_load %arg7[%swap3A_446, %swap3A_447] {strides = array<i32>} : memref<3x256xf32, #tpu.memory_space<vmem>>, vector<16xf32>,
    tpu.vector_store %arg7[%swap3A_446, %swap3A_447], %gather3A_444 {strides = array<i32>} : memref<3x256xf32, #tpu.memory_space<vmem>>, vector<16xf32>,
    %add3A_449 = arith.constant 1 : i32
    %add3A_450 = vector.broadcast %add3A_449 : i32 to vector<16xi32>
    %add3A_451 = arith.addi %mul3A_440, %add3A_450 : vector<16xi32>
    %gather3A_452 = tpu.vector_load_idx %arg5[%add3A_451] : memref<24576xf32, #tpu.memory_space<vmem>>[vector<16xi32>], vector<16xf32>,
    %swap3A_453 = arith.constant 1 : i32
    %swap3A_454 = arith.index_cast %swap3A_453 : i32 to index
    %swap3A_455 = arith.constant 224 : index
    %swap3A_456 = tpu.vector_load %arg7[%swap3A_454, %swap3A_455] {strides = array<i32>} : memref<3x256xf32, #tpu.memory_space<vmem>>, vector<16xf32>,
    tpu.vector_store %arg7[%swap3A_454, %swap3A_455], %gather3A_452 {strides = array<i32>} : memref<3x256xf32, #tpu.memory_space<vmem>>, vector<16xf32>,
    %add3A_457 = arith.constant 2 : i32
    %add3A_458 = vector.broadcast %add3A_457 : i32 to vector<16xi32>
    %add3A_459 = arith.addi %mul3A_440, %add3A_458 : vector<16xi32>
    %gather3A_460 = tpu.vector_load_idx %arg5[%add3A_459] : memref<24576xf32, #tpu.memory_space<vmem>>[vector<16xi32>], vector<16xf32>,
    %swap3A_461 = arith.constant 2 : i32
    %swap3A_462 = arith.index_cast %swap3A_461 : i32 to index
    %swap3A_463 = arith.constant 224 : index
    %swap3A_464 = tpu.vector_load %arg7[%swap3A_462, %swap3A_463] {strides = array<i32>} : memref<3x256xf32, #tpu.memory_space<vmem>>, vector<16xf32>,
    tpu.vector_store %arg7[%swap3A_462, %swap3A_463], %gather3A_460 {strides = array<i32>} : memref<3x256xf32, #tpu.memory_space<vmem>>, vector<16xf32>,
    %get3A_465 = arith.constant 240 : index
    %get3A_466 = tpu.vector_load %arg6[%get3A_465] {strides = array<i32>} : memref<256xi32, #tpu.memory_space<vmem>>, vector<16xi32>,
    %mul3A_467 = arith.constant 3 : i32
    %mul3A_468 = vector.broadcast %mul3A_467 : i32 to vector<16xi32>
    %mul3A_469 = arith.muli %get3A_466, %mul3A_468 : vector<16xi32>
    %add3A_470 = arith.constant 0 : i32
    %add3A_471 = vector.broadcast %add3A_470 : i32 to vector<16xi32>
    %add3A_472 = arith.addi %mul3A_469, %add3A_471 : vector<16xi32>
    %gather3A_473 = tpu.vector_load_idx %arg5[%add3A_472] : memref<24576xf32, #tpu.memory_space<vmem>>[vector<16xi32>], vector<16xf32>,
    %swap3A_474 = arith.constant 0 : i32
    %swap3A_475 = arith.index_cast %swap3A_474 : i32 to index
    %swap3A_476 = arith.constant 240 : index
    %swap3A_477 = tpu.vector_load %arg7[%swap3A_475, %swap3A_476] {strides = array<i32>} : memref<3x256xf32, #tpu.memory_space<vmem>>, vector<16xf32>,
    tpu.vector_store %arg7[%swap3A_475, %swap3A_476], %gather3A_473 {strides = array<i32>} : memref<3x256xf32, #tpu.memory_space<vmem>>, vector<16xf32>,
    %add3A_478 = arith.constant 1 : i32
    %add3A_479 = vector.broadcast %add3A_478 : i32 to vector<16xi32>
    %add3A_480 = arith.addi %mul3A_469, %add3A_479 : vector<16xi32>
    %gather3A_481 = tpu.vector_load_idx %arg5[%add3A_480] : memref<24576xf32, #tpu.memory_space<vmem>>[vector<16xi32>], vector<16xf32>,
    %swap3A_482 = arith.constant 1 : i32
    %swap3A_483 = arith.index_cast %swap3A_482 : i32 to index
    %swap3A_484 = arith.constant 240 : index
    %swap3A_485 = tpu.vector_load %arg7[%swap3A_483, %swap3A_484] {strides = array<i32>} : memref<3x256xf32, #tpu.memory_space<vmem>>, vector<16xf32>,
    tpu.vector_store %arg7[%swap3A_483, %swap3A_484], %gather3A_481 {strides = array<i32>} : memref<3x256xf32, #tpu.memory_space<vmem>>, vector<16xf32>,
    %add3A_486 = arith.constant 2 : i32
    %add3A_487 = vector.broadcast %add3A_486 : i32 to vector<16xi32>
    %add3A_488 = arith.addi %mul3A_469, %add3A_487 : vector<16xi32>
    %gather3A_489 = tpu.vector_load_idx %arg5[%add3A_488] : memref<24576xf32, #tpu.memory_space<vmem>>[vector<16xi32>], vector<16xf32>,
    %swap3A_490 = arith.constant 2 : i32
    %swap3A_491 = arith.index_cast %swap3A_490 : i32 to index
    %swap3A_492 = arith.constant 240 : index
    %swap3A_493 = tpu.vector_load %arg7[%swap3A_491, %swap3A_492] {strides = array<i32>} : memref<3x256xf32, #tpu.memory_space<vmem>>, vector<16xf32>,
    tpu.vector_store %arg7[%swap3A_491, %swap3A_492], %gather3A_489 {strides = array<i32>} : memref<3x256xf32, #tpu.memory_space<vmem>>, vector<16xf32>,
    "tpu.region"() ({
      %run_scoped3A = tpu.sem_alloc : memref<!tpu.dma_semaphore, #tpu.memory_space<semaphore_mem>>
      %dma_start3A = arith.constant 0 : i32
      %dma_start3A_494 = arith.constant 0 : i32
      %dma_start3A_495 = tpu.memref_slice %arg4[%select_n3A, %select_n3A_30, %dma_start3A, %dma_start3A_494] : memref<16x2x3x256xf32, #tpu.memory_space<hbm>> -> memref<1x1x3x256xf32, #tpu.memory_space<hbm>>
      %dma_start3A_496 = tpu.memref_squeeze %dma_start3A_495 : memref<1x1x3x256xf32, #tpu.memory_space<hbm>> -> memref<3x256xf32, #tpu.memory_space<hbm>>
      %dma_start3A_497 = arith.constant 0 : i32
      %dma_start3A_498 = arith.constant 0 : i32
      %dma_start3A_499 = tpu.memref_slice %arg4[%select_n3A, %select_n3A_30, %dma_start3A_497, %dma_start3A_498] : memref<16x2x3x256xf32, #tpu.memory_space<hbm>> -> memref<1x1x3x256xf32, #tpu.memory_space<hbm>>
      %dma_start3A_500 = tpu.memref_squeeze %dma_start3A_499 : memref<1x1x3x256xf32, #tpu.memory_space<hbm>> -> memref<3x256xf32, #tpu.memory_space<hbm>>
      tpu.enqueue_dma source(%arg7 : memref<3x256xf32, #tpu.memory_space<vmem>>) target(%dma_start3A_500 : memref<3x256xf32, #tpu.memory_space<hbm>>) target_semaphore(%run_scoped3A : memref<!tpu.dma_semaphore, #tpu.memory_space<semaphore_mem>>)
      %dma_wait3A = arith.constant 0 : i32
      %dma_wait3A_501 = arith.constant 0 : i32
      %dma_wait3A_502 = tpu.memref_slice %arg4[%select_n3A, %select_n3A_30, %dma_wait3A, %dma_wait3A_501] : memref<16x2x3x256xf32, #tpu.memory_space<hbm>> -> memref<1x1x3x256xf32, #tpu.memory_space<hbm>>
      %dma_wait3A_503 = tpu.memref_squeeze %dma_wait3A_502 : memref<1x1x3x256xf32, #tpu.memory_space<hbm>> -> memref<3x256xf32, #tpu.memory_space<hbm>>
      %dma_wait3A_504 = arith.constant 0 : i32
      %dma_wait3A_505 = arith.constant 0 : i32
      %dma_wait3A_506 = tpu.memref_slice %arg4[%select_n3A, %select_n3A_30, %dma_wait3A_504, %dma_wait3A_505] : memref<16x2x3x256xf32, #tpu.memory_space<hbm>> -> memref<1x1x3x256xf32, #tpu.memory_space<hbm>>
      %dma_wait3A_507 = tpu.memref_squeeze %dma_wait3A_506 : memref<1x1x3x256xf32, #tpu.memory_space<hbm>> -> memref<3x256xf32, #tpu.memory_space<hbm>>
      tpu.wait_dma2 semaphore(%run_scoped3A : memref<!tpu.dma_semaphore, #tpu.memory_space<semaphore_mem>>) src(%arg7 : memref<3x256xf32, #tpu.memory_space<vmem>>) dst(%dma_wait3A_507 : memref<3x256xf32, #tpu.memory_space<hbm>>)
      tpu.yield
    }) : () -> ()
    return
  }
}

</mosaic_0001>

<sc_bundles>
// kernel: _sc_gather.3.cloned.1.call-start
scs
__scs_entry_jumppad:
0x0: {  	(pc) =	sbr.rel $0x88, $3  }
0x1: {  	(tag) =	ssettag $0x0;
	lr =	simm.s32 $0x1  }
0x2: {  	[smem:$0x3F9F] =	sst lr;
	_ =	strace $0xD0000000  }
0x3: {  	_ = 	snop  }
0x4: {  	_ = 	snop  }
0x5: {  	_ = 	snop  }
0x6: {  	_ = 	snop  }
0x7: {  	_ = 	snop  }
__scs_overlays_trampoline_lowered:
0x8: {  	[smem:$0x3FAE] =	sst s0  }
0x9: {  	[smem:$0x3FAF] =	sst s1  }
0xa: {  	[smem:$0x3FB0] =	sst s2  }
0xb: {  	[smem:$0x3FB1] =	sst s3  }
0xc: {  	[smem:$0x3FB2] =	sst s4  }
0xd: {  	[smem:$0x3FB3] =	sst s5  }
0xe: {  	[smem:$0x3FB4] =	sst s6  }
0xf: {  	[smem:$0x3FB5] =	sst s7  }
0x10: {  	[smem:$0x3FB6] =	sst s8  }
0x11: {  	[smem:$0x3FB7] =	sst s9;
	s0 =	simm.s32 @!p0 $0x0  }
0x12: {  	s1 =	sld [smem:$0x3F9D];
	s0 =	simm.s32 @p0 $0x1  }
0x13: {  	[smem:$0x3FB8] =	sst s0;
	s0 =	simm.s32 @!p1 $0x0  }
0x14: {  	s2 =	sld [smem:$0x3F9C];
	s0 =	simm.s32 @p1 $0x1  }
0x15: {  	[smem:$0x3FB9] =	sst s0;
	s0 =	simm.s32 @!p2 $0x0  }
0x16: {  	s3 =	sld [smem:$0x3FDB];
	s0 =	simm.s32 @p2 $0x1  }
0x17: {  	s4 =	simm.s32 $0x1BF5;
	[smem:$0x3FBB] =	sst s0  }
0x18: {  	s0 =	sld [smem:$0x3F9E];
	_ =	swait.ge [sflag:s4], $0x0  }
0x19: {  	s7 =	sld [smem:$0x3F9F]  }
0x1a: {  	s8 =	sadd.s32 $0xFFFFE003, lr  }
0x1b: {  	s9 =	sadd.s32 $0xFFFFFEF7, lr;
	s5 =	simm.s32 $0xFFFFFFFF;
	p2 =	slt.u32 s8, $0xFFFFF086  }
0x1c: {  	p1 =	slt.u32 s9, $0xF7A;
	s5 =	simm.s32 @!p2 $0x0  }
0x1d: {  	s5 =	simm.s32 @p1 $0x1;
	p0 =	seq.s32 s7, s2  }
0x1e: {  	s7 =	smul.u32 @!p0 $0xF7A, s2;
	p2 =	seq.s32 @!p0 s5, $0x0  }
0x1f: {  	s9 =	smul.u32 $0xF7A, s1;
	s8 =	simm.s32 @!p0 $0x1BF5;
	p2 =	por !p2, p0  }
0x20: {  	[sflag:s8] =	ssyncset.s32 @!p0 $0xFFFFF086;
	s6 =	sadd.s32 @!p0 s3, s7;
	s7 =	simm.s32 @!p0 $0x108  }
0x21: {  	s3 =	sadd.s32 s3, s9;
	s6 =	sadd.s32 @!p0 $0x88, s6;
	s7 =	simm.s32 @p2 $0x1082  }
0x22: {  	[simem:s7], [sflag:s8] =	dma.local @!p0 [hbm:s6], $0xF7A  }
0x23: {  	s9 =	sor.u32 $0xD0000000, s2;
	s6 =	simm.s32 $0x108;
	_ =	swait.ge @!p0 [sflag:s8], $0x0  }
0x24: {  	s3 =	sadd.s32 $0x88, s3;
	s6 =	simm.s32 @!p1 $0x1082;
	[sflag:s4] =	ssyncset.s32 $0xFFFFF086  }
0x25: {  	[simem:s6], [sflag:s4] =	dma.local [hbm:s3], $0xF7A  }
0x26: {  	[smem:$0x3F9F] =	sst s1;
	(tag) =	ssettag s2;
	_ =	strace s9  }
0x27: {  	s1 =	sld [smem:$0x3FAF]  }
0x28: {  	s2 =	sld [smem:$0x3FB0]  }
0x29: {  	s4 =	sld [smem:$0x3FB2]  }
0x2a: {  	p0 =	seq.s32 s5, $0x0;
	s5 =	sld [smem:$0x3FB3]  }
0x2b: {  	s6 =	sld [smem:$0x3FB4]  }
0x2c: {  	s7 =	sld [smem:$0x3FB5]  }
0x2d: {  	s3 =	simm.s32 $0x108;
	s8 =	sld [smem:$0x3FB6]  }
0x2e: {  	s3 =	simm.s32 @!p0 $0x1082;
	s9 =	sld [smem:$0x3FB7]  }
0x2f: {  	lr =	sadd.s32 s0, s3;
	s0 =	sld [smem:$0x3FAE]  }
0x30: {  	s3 =	sld [smem:$0x3FB1]  }
0x31: {  	[smem:$0x3FBA] =	sst s10  }
0x32: {  	s10 =	sld [smem:$0x3FB8];
	_ =	sdelay $0x3  }
0x33: {  	p0 =	seq.s32 s10, $0x1;
	s10 =	sld [smem:$0x3FBA];
	_ =	sdelay $0x3  }
0x34: {  	[smem:$0x3FBA] =	sst s10  }
0x35: {  	s10 =	sld [smem:$0x3FB9];
	_ =	sdelay $0x3  }
0x36: {  	p1 =	seq.s32 s10, $0x1;
	s10 =	sld [smem:$0x3FBA];
	_ =	sdelay $0x3  }
0x37: {  	[smem:$0x3FBA] =	sst s10  }
0x38: {  	s10 =	sld [smem:$0x3FBB]  }
0x39: {  	_ = 	snop;
	(pc) =	sbr.ind lr, $3  }
0x3a: {  	_ = 	snop  }
0x3b: {  	_ = 	snop  }
0x3c: {  	p2 =	seq.s32 s10, $0x1;
	s10 =	sld [smem:$0x3FBA]  }
0x3d: {  	_ =	shalt  }
0x3e: {  	_ =	shalt  }
0x3f: {  	_ =	shalt  }
0x40: {  	_ =	shalt  }
0x41: {  	_ =	shalt  }
0x42: {  	_ =	shalt  }
0x43: {  	_ =	shalt  }
0x44: {  	_ =	shalt  }
0x45: {  	_ =	shalt  }
0x46: {  	_ =	shalt  }
0x47: {  	_ =	shalt  }
0x48: {  	_ =	shalt  }
0x49: {  	_ =	shalt  }
0x4a: {  	_ =	shalt  }
0x4b: {  	_ =	shalt  }
0x4c: {  	_ =	shalt  }
0x4d: {  	_ =	shalt  }
0x4e: {  	_ =	shalt  }
0x4f: {  	_ =	shalt  }
0x50: {  	_ =	shalt  }
0x51: {  	_ =	shalt  }
0x52: {  	_ =	shalt  }
0x53: {  	_ =	shalt  }
0x54: {  	_ =	shalt  }
0x55: {  	_ =	shalt  }
0x56: {  	_ =	shalt  }
0x57: {  	_ =	shalt  }
0x58: {  	_ =	shalt  }
0x59: {  	_ =	shalt  }
0x5a: {  	_ =	shalt  }
0x5b: {  	_ =	shalt  }
0x5c: {  	_ =	shalt  }
0x5d: {  	_ =	shalt  }
0x5e: {  	_ =	shalt  }
0x5f: {  	_ =	shalt  }
0x60: {  	_ =	shalt  }
0x61: {  	_ =	shalt  }
0x62: {  	_ =	shalt  }
0x63: {  	_ =	shalt  }
0x64: {  	_ =	shalt  }
0x65: {  	_ =	shalt  }
0x66: {  	_ =	shalt  }
0x67: {  	_ =	shalt  }
0x68: {  	_ =	shalt  }
0x69: {  	_ =	shalt  }
0x6a: {  	_ =	shalt  }
0x6b: {  	_ =	shalt  }
0x6c: {  	_ =	shalt  }
0x6d: {  	_ =	shalt  }
0x6e: {  	_ =	shalt  }
0x6f: {  	_ =	shalt  }
0x70: {  	_ =	shalt  }
0x71: {  	_ =	shalt  }
0x72: {  	_ =	shalt  }
0x73: {  	_ =	shalt  }
0x74: {  	_ =	shalt  }
0x75: {  	_ =	shalt  }
0x76: {  	_ =	shalt  }
0x77: {  	_ =	shalt  }
0x78: {  	_ =	shalt  }
0x79: {  	_ =	shalt  }
0x7a: {  	_ =	shalt  }
0x7b: {  	_ =	shalt  }
0x7c: {  	_ =	shalt  }
0x7d: {  	_ =	shalt  }
0x7e: {  	_ =	shalt  }
0x7f: {  	_ =	shalt  }
0x80: {  	_ =	shalt  }
0x81: {  	_ =	shalt  }
0x82: {  	_ =	shalt  }
0x83: {  	_ =	shalt  }
0x84: {  	_ =	shalt  }
0x85: {  	_ =	shalt  }
0x86: {  	_ =	shalt  }
0x87: {  	_ =	shalt  }
.Lfunc_end0:
.L_simem_size_0:
called_computation_lowered:
.L_overlay_start_0:
0x88: {  	s2 =	sld [smem:$0x3FD9]  }
0x89: {  	s3 =	sld [smem:$0x3FFE];
	_ =	sdelay $0x1  }
0x8a: {  	s1 =	srdreg.scid  }
0x8b: {  	s0 =	sand.u32 $0x1, s1  }
0x8c: {  	s17 =	sshll.u32 s0, $0xA;
	s2 =	sadd.s32 s3, s2  }
0x8d: {  	s2 =	sadd.s32 s2, s17  }
0x8e: {  	[smem:$0x3FC6] =	sst s2  }
0x8f: {  	_ = 	snop  }
0x90: {  	s2 =	sld [smem:$0x3FC9]  }
0x91: {  	s18 =	sld [smem:$0x3FC8];
	(tm) =	ssettm $0x1  }
0x92: {  	s4 =	sld [smem:$0x3FFB];
	_ =	sdelay $0x3  }
0x93: {  	_ =	strace s4  }
0x94: {  	s4 =	sld [smem:$0x3FFC];
	_ =	sdelay $0x3  }
0x95: {  	_ =	strace s4  }
0x96: {  	s4 =	sld [smem:$0x3FFD];
	_ =	sdelay $0x3  }
0x97: {  	_ =	strace s4  }
0x98: {  	_ =	strace $0x8FFFFFFF  }
0x99: {  	s19 =	sld [smem:$0x3FDB];
	_ =	sdelay $0x1  }
0x9a: {  	s5 =	simm.s32 $_scs_section_size  }
0x9b: {  	s6 =	simm.s32 $_size__tile_overlayer_lowered;
	s7 =	simm.s32 $_tile_overlayer_lowered  }
0x9c: {  	s22 =	simm.s32 $0x1BFF;
	s21 =	sshll.u32 s7, $0x1;
	s4 =	sadd.s32 s5, s19  }
0x9d: {  	s8 =	simm.s32 $0x0;
	s20 =	sshll.u32 s6, $0x1;
	s6 =	sadd.s32 s21, s4  }
0x9e: {  	[timem:s8], [sflag:s22] =	dma.local [hbm:s6], s20  }
0x9f: {  	_ =	swait.ge [sflag:s22], s20  }
0xa0: {  	s5 =	ssub.s32 $0x0, s20;
	[sflag:s22] =	ssyncset.done $0x0  }
0xa1: {  	[sflag:s22] =	ssyncadd.s32 s5;
	_ =	sdelay $0x1  }
0xa2: {  	s23 =	simm.s32 $0x1B8B  }
0xa3: {  	_ =	swait.ge [sflag:s23], $0x1  }
0xa4: {  	[sflag:s23] =	ssyncset.done $0x0  }
0xa5: {  	s25 =	simm.s32 $0x1B8E;
	s24 =	sld [smem:$0x3FFE];
	[sflag:s23] =	ssyncadd.s32 $0xFFFFFFFF  }
0xa6: {  	s26 =	simm.s32 $execute0_lowered;
	[smem:$0x3FD2] =	sst s25  }
0xa7: {  	s6 =	sshll.u32 s26, $0x1;
	_ =	strace $0x80000046;
	[dreg:$0x1] =	wrdreg $0xFFFFFFFF  }
0xa8: {  	s28 =	simm.s32 $_size_execute0_lowered;
	s4 =	sadd.s32 s4, s6;
	[dreg:$0x0] =	wrdreg $0x0  }
0xa9: {  	s6 =	sshll.u32 s28, $0x1;
	[dreg:$0x2] =	wrdreg s4  }
0xaa: {  	[dreg:$0x3] =	wrdreg s6  }
0xab: {  	[dreg:$0x4] =	wrdreg $0xC0  }
0xac: {  	_ =	task [dreg:s8], $0x5FFFF  }
0xad: {  	[dreg:$0x1] =	wrdreg $0xFFFFFFFF  }
0xae: {  	[dreg:$0x0] =	wrdreg $0x60  }
0xaf: {  	[dreg:$0x2] =	wrdreg s2  }
0xb0: {  	[dreg:$0x3] =	wrdreg s18  }
0xb1: {  	[dreg:$0x4] =	wrdreg s24  }
0xb2: {  	[dreg:$0x5] =	wrdreg $0x9  }
0xb3: {  	_ =	task.clear_ibuf [dreg:s8], $0x6FFFF;
	_ =	strace $0x90000046  }
0xb4: {  	s29 =	simm.s32 $0x9;
	_ =	strace $0x80000048  }
0xb5: {  	_ =	swait.ge [sflag:s29], $0x1  }
0xb6: {  	[sflag:s29] =	ssyncadd.s32 $0xFFFFFFFF  }
0xb7: {  	_ =	strace $0x90000048  }
0xb8: {  	_ =	sfence  }
0xb9: {  	s30 =	sld [smem:$0x0];
	_ =	sdelay $0x2  }
0xba: {  	s31 =	sshll.u32 s1, $0xD;
	s1 =	sshrl.u32 s1, $0x2  }
0xbb: {  	s3 =	sand.u32 $0x4000, s31;
	s1 =	sadd.s32 s1, s30  }
0xbc: {  	s0 =	sor.u32 s3, s0;
	s1 =	sshll.u32 s1, $0x11  }
0xbd: {  	s0 =	sor.u32 s1, s0  }
0xbe: {  	s0 =	sadd.s32 $0x8F2B, s0  }
0xbf: {  	[sflag:s0] =	ssyncadd.remote.s32 $0x1  }
0xc0: {  	_ =	sfence.sel $0xFFFF  }
0xc1: {  	[dreg:$0x0] =	wrdreg $0xFFFFFFFF;
	(pc) =	sbr.abs _section_cstart, $3  }
0xc2: {  	[dreg:$0x1] =	wrdreg $0xFFFFFFFF  }
0xc3: {  	_ =	task.clear_ibuf [dreg:s8], $0x2FFFF;
	_ =	strace $0x9FFFFFFF  }
0xc4: {  	(tm) =	ssettm $0x7FFFFFFF  }
0xc5: {  	_ =	shalt  }
tec
execute0_lowered:
.L_overlay_start_1:
0x0: {  	(tag) =	ssettag $0x1  }
0x1: {  	s1 =	srdreg.scid;
	s5 =	rddreg [dreg:$0x0]  }
0x2: {  	s0 =	stileid.u32;
	s6 =	rddreg [dreg:$0x1];
	s4 =	sand.u32 $0x1, s1  }
0x3: {  	s7 =	rddreg [dreg:$0x2];
	s1 =	sor.u32 s4, s0  }
0x4: {  	s2 =	simm.s32 $0x0;
	p1 =	seq.s32 s4, $0x1;
	p0 =	seq.s32 s1, $0x0  }
0x5: {  	s9 =	sshll.u32 s4, $0xA;
	s11 =	sshll.u32 s4, $0xB;
	p0 =	por !p0, !p1  }
0x6: {  	s4 =	ssub.s32 $0x2, s4;
	s1 =	simm.s32 $0x1;
	p0 =	por !p0, !p0  }
0x7: {  	[smem:$0x7FF] =	sst s2;
	s31 =	sshrl.u32 s4, $0x1;
	s1 =	simm.s32 @!p0 $0x0  }
0x8: {  	s3 =	ssub.s32 s0, s1;
	s1 =	rddreg [dreg:$0x3];
	_ =	strace $0x80000047  }
0x9: {  	s8 =	sshll.u32 s3, $0xB;
	s29 =	sshrl.u32 s3, $0x3;
	s10 =	sshll.u32 s3, $0x7  }
0xa: {  	s3 =	simm.s32 $0x1;
	s8 =	sor.u32 s9, s8;
	s30 =	smul.u32 $0x30000, s29  }
0xb: {  	s9 =	sshll.u32 s29, $0xC;
	s10 =	sand.u32 $0x380, s10;
	s8 =	sshrl.u32 s8, $0x3  }
0xc: {  	s9 =	sor.u32 s11, s9;
	s7 =	sadd.s32 s8, s7;
	s8 =	sor.u32 s10, s30  }
0xd: {  	s11 =	simm.s32 $0x6100;
	s9 =	sor.u32 s10, s9;
	s8 =	sshrl.u32 s8, $0x3  }
0xe: {  	s10 =	ssub.s32 s4, s31;
	s9 =	sshrl.u32 s9, $0x3;
	s4 =	sadd.s32 s5, s8  }
0xf: {  	s5 =	sadd.s32 s6, s9;
	s6 =	sadd.s32 $0x400, s7;
	s7 =	smax.u32 s10, $0x1  }
0x10: {  	s8 =	simm.s32 $0x80;
	s9 =	simm.s32 $0x400;
	s10 =	simm.s32 $0x6000  }
.LBB2_1:
0x11: {  	[tilespmem:s2], [sflag:$0x1] =	stream.strided.gather [hbm4b:s4+s8], $0x6000, s9, s8, $0x38;
	[tilespmem:$0x6500] =	vst v63  }
0x12: {  	_ =	swait.ge [sflag:s3], $0x6000  }
0x13: {  	[sflag:s3] =	ssyncset.done $0x0  }
0x14: {  	[sflag:s3] =	ssyncadd.s32 $0xFFFFA000  }
0x15: {  	[tilespmem:s10], [sflag:$0x1] =	stream.strided.gather [hbm4b:s5+s8], $0x100, s9, s8, $0x38;
	[tilespmem:$0x6500] =	vst v63  }
0x16: {  	_ =	swait.ge [sflag:s3], $0x100  }
0x17: {  	[sflag:s3] =	ssyncset.done $0x0  }
0x18: {  	[sflag:s3] =	ssyncadd.s32 $0xFFFFFF00  }
0x19: {  	v0 =	vld [tilespmem:$0x6000];
	_ =	sdelay $0x4  }
0x1a: {  	v0 =	vmul.u32 $0x3, v0;
	_ =	sdelay $0x5  }
0x1b: {  	v1 =	vld.idx.msk [tilespmem:v0+s2+$0x0], $0xffff  }
0x1c: {  	v2 =	vadd.s32 $0x1, v0;
	_ =	sdelay $0x3  }
0x1d: {  	[tilespmem:$0x6100] =	vst v1  }
0x1e: {  	v1 =	vld.idx.msk [tilespmem:v2+s2+$0x0], $0xffff  }
0x1f: {  	v34 =	vld [tilespmem:$0x6010];
	v0 =	vadd.s32 $0x2, v0;
	_ =	sdelay $0x3  }
0x20: {  	[tilespmem:$0x6180] =	vst v1  }
0x21: {  	v35 =	vmul.u32 $0x3, v34;
	v0 =	vld.idx.msk [tilespmem:v0+s2+$0x0], $0xffff;
	_ =	sdelay $0x4  }
0x22: {  	[tilespmem:$0x6200] =	vst v0  }
0x23: {  	v0 =	vld.idx.msk [tilespmem:v35+s2+$0x0], $0xffff  }
0x24: {  	v2 =	vadd.s32 $0x1, v35;
	_ =	sdelay $0x3  }
0x25: {  	[tilespmem:$0x6110] =	vst v0  }
0x26: {  	v0 =	vld.idx.msk [tilespmem:v2+s2+$0x0], $0xffff  }
0x27: {  	v36 =	vld [tilespmem:$0x6020];
	v1 =	vadd.s32 $0x2, v35;
	_ =	sdelay $0x3  }
0x28: {  	[tilespmem:$0x6190] =	vst v0  }
0x29: {  	v37 =	vmul.u32 $0x3, v36;
	v0 =	vld.idx.msk [tilespmem:v1+s2+$0x0], $0xffff;
	_ =	sdelay $0x4  }
0x2a: {  	[tilespmem:$0x6210] =	vst v0  }
0x2b: {  	v0 =	vld.idx.msk [tilespmem:v37+s2+$0x0], $0xffff  }
0x2c: {  	v2 =	vadd.s32 $0x1, v37;
	_ =	sdelay $0x3  }
0x2d: {  	[tilespmem:$0x6120] =	vst v0  }
0x2e: {  	v0 =	vld.idx.msk [tilespmem:v2+s2+$0x0], $0xffff  }
0x2f: {  	v38 =	vld [tilespmem:$0x6030];
	v1 =	vadd.s32 $0x2, v37;
	_ =	sdelay $0x3  }
0x30: {  	[tilespmem:$0x61A0] =	vst v0  }
0x31: {  	v39 =	vmul.u32 $0x3, v38;
	v0 =	vld.idx.msk [tilespmem:v1+s2+$0x0], $0xffff;
	_ =	sdelay $0x4  }
0x32: {  	[tilespmem:$0x6220] =	vst v0  }
0x33: {  	v0 =	vld.idx.msk [tilespmem:v39+s2+$0x0], $0xffff  }
0x34: {  	v2 =	vadd.s32 $0x1, v39;
	_ =	sdelay $0x3  }
0x35: {  	[tilespmem:$0x6130] =	vst v0  }
0x36: {  	v0 =	vld.idx.msk [tilespmem:v2+s2+$0x0], $0xffff  }
0x37: {  	v40 =	vld [tilespmem:$0x6040];
	v1 =	vadd.s32 $0x2, v39;
	_ =	sdelay $0x3  }
0x38: {  	[tilespmem:$0x61B0] =	vst v0  }
0x39: {  	v41 =	vmul.u32 $0x3, v40;
	v0 =	vld.idx.msk [tilespmem:v1+s2+$0x0], $0xffff;
	_ =	sdelay $0x4  }
0x3a: {  	[tilespmem:$0x6230] =	vst v0  }
0x3b: {  	v0 =	vld.idx.msk [tilespmem:v41+s2+$0x0], $0xffff  }
0x3c: {  	v2 =	vadd.s32 $0x1, v41;
	_ =	sdelay $0x3  }
0x3d: {  	[tilespmem:$0x6140] =	vst v0  }
0x3e: {  	v0 =	vld.idx.msk [tilespmem:v2+s2+$0x0], $0xffff  }
0x3f: {  	v42 =	vld [tilespmem:$0x6050];
	v1 =	vadd.s32 $0x2, v41;
	_ =	sdelay $0x3  }
0x40: {  	[tilespmem:$0x61C0] =	vst v0  }
0x41: {  	v43 =	vmul.u32 $0x3, v42;
	v0 =	vld.idx.msk [tilespmem:v1+s2+$0x0], $0xffff;
	_ =	sdelay $0x4  }
0x42: {  	[tilespmem:$0x6240] =	vst v0  }
0x43: {  	v0 =	vld.idx.msk [tilespmem:v43+s2+$0x0], $0xffff  }
0x44: {  	v2 =	vadd.s32 $0x1, v43;
	_ =	sdelay $0x3  }
0x45: {  	[tilespmem:$0x6150] =	vst v0  }
0x46: {  	v0 =	vld.idx.msk [tilespmem:v2+s2+$0x0], $0xffff  }
0x47: {  	v44 =	vld [tilespmem:$0x6060];
	v1 =	vadd.s32 $0x2, v43;
	_ =	sdelay $0x3  }
0x48: {  	[tilespmem:$0x61D0] =	vst v0  }
0x49: {  	v45 =	vmul.u32 $0x3, v44;
	v0 =	vld.idx.msk [tilespmem:v1+s2+$0x0], $0xffff;
	_ =	sdelay $0x4  }
0x4a: {  	[tilespmem:$0x6250] =	vst v0  }
0x4b: {  	v0 =	vld.idx.msk [tilespmem:v45+s2+$0x0], $0xffff  }
0x4c: {  	v2 =	vadd.s32 $0x1, v45;
	_ =	sdelay $0x3  }
0x4d: {  	[tilespmem:$0x6160] =	vst v0  }
0x4e: {  	v0 =	vld.idx.msk [tilespmem:v2+s2+$0x0], $0xffff  }
0x4f: {  	v46 =	vld [tilespmem:$0x6070];
	v1 =	vadd.s32 $0x2, v45;
	_ =	sdelay $0x3  }
0x50: {  	[tilespmem:$0x61E0] =	vst v0  }
0x51: {  	v47 =	vmul.u32 $0x3, v46;
	v0 =	vld.idx.msk [tilespmem:v1+s2+$0x0], $0xffff;
	_ =	sdelay $0x4  }
0x52: {  	[tilespmem:$0x6260] =	vst v0  }
0x53: {  	v0 =	vld.idx.msk [tilespmem:v47+s2+$0x0], $0xffff  }
0x54: {  	v2 =	vadd.s32 $0x1, v47;
	_ =	sdelay $0x3  }
0x55: {  	[tilespmem:$0x6170] =	vst v0  }
0x56: {  	v0 =	vld.idx.msk [tilespmem:v2+s2+$0x0], $0xffff  }
0x57: {  	v48 =	vld [tilespmem:$0x6080];
	v1 =	vadd.s32 $0x2, v47;
	_ =	sdelay $0x3  }
0x58: {  	[tilespmem:$0x61F0] =	vst v0  }
0x59: {  	v49 =	vmul.u32 $0x3, v48;
	v0 =	vld.idx.msk [tilespmem:v1+s2+$0x0], $0xffff;
	_ =	sdelay $0x4  }
0x5a: {  	[tilespmem:$0x6270] =	vst v0  }
0x5b: {  	v0 =	vld.idx.msk [tilespmem:v49+s2+$0x0], $0xffff  }
0x5c: {  	v2 =	vadd.s32 $0x1, v49;
	_ =	sdelay $0x3  }
0x5d: {  	[tilespmem:$0x6300] =	vst v0  }
0x5e: {  	v0 =	vld.idx.msk [tilespmem:v2+s2+$0x0], $0xffff  }
0x5f: {  	v50 =	vld [tilespmem:$0x6090];
	v1 =	vadd.s32 $0x2, v49;
	_ =	sdelay $0x3  }
0x60: {  	[tilespmem:$0x6380] =	vst v0  }
0x61: {  	v51 =	vmul.u32 $0x3, v50;
	v0 =	vld.idx.msk [tilespmem:v1+s2+$0x0], $0xffff;
	_ =	sdelay $0x4  }
0x62: {  	[tilespmem:$0x6400] =	vst v0  }
0x63: {  	v0 =	vld.idx.msk [tilespmem:v51+s2+$0x0], $0xffff  }
0x64: {  	v2 =	vadd.s32 $0x1, v51;
	_ =	sdelay $0x3  }
0x65: {  	[tilespmem:$0x6310] =	vst v0  }
0x66: {  	v0 =	vld.idx.msk [tilespmem:v2+s2+$0x0], $0xffff  }
0x67: {  	v52 =	vld [tilespmem:$0x60A0];
	v1 =	vadd.s32 $0x2, v51;
	_ =	sdelay $0x3  }
0x68: {  	[tilespmem:$0x6390] =	vst v0  }
0x69: {  	v53 =	vmul.u32 $0x3, v52;
	v0 =	vld.idx.msk [tilespmem:v1+s2+$0x0], $0xffff;
	_ =	sdelay $0x4  }
0x6a: {  	[tilespmem:$0x6410] =	vst v0  }
0x6b: {  	v0 =	vld.idx.msk [tilespmem:v53+s2+$0x0], $0xffff  }
0x6c: {  	v2 =	vadd.s32 $0x1, v53;
	_ =	sdelay $0x3  }
0x6d: {  	[tilespmem:$0x6320] =	vst v0  }
0x6e: {  	v0 =	vld.idx.msk [tilespmem:v2+s2+$0x0], $0xffff  }
0x6f: {  	v54 =	vld [tilespmem:$0x60B0];
	v1 =	vadd.s32 $0x2, v53;
	_ =	sdelay $0x3  }
0x70: {  	[tilespmem:$0x63A0] =	vst v0  }
0x71: {  	v55 =	vmul.u32 $0x3, v54;
	v0 =	vld.idx.msk [tilespmem:v1+s2+$0x0], $0xffff;
	_ =	sdelay $0x4  }
0x72: {  	[tilespmem:$0x6420] =	vst v0  }
0x73: {  	v0 =	vld.idx.msk [tilespmem:v55+s2+$0x0], $0xffff  }
0x74: {  	v2 =	vadd.s32 $0x1, v55;
	_ =	sdelay $0x3  }
0x75: {  	[tilespmem:$0x6330] =	vst v0  }
0x76: {  	v0 =	vld.idx.msk [tilespmem:v2+s2+$0x0], $0xffff  }
0x77: {  	v56 =	vld [tilespmem:$0x60C0];
	v1 =	vadd.s32 $0x2, v55;
	_ =	sdelay $0x3  }
0x78: {  	[tilespmem:$0x63B0] =	vst v0  }
0x79: {  	v57 =	vmul.u32 $0x3, v56;
	v0 =	vld.idx.msk [tilespmem:v1+s2+$0x0], $0xffff;
	_ =	sdelay $0x4  }
0x7a: {  	[tilespmem:$0x6430] =	vst v0  }
0x7b: {  	v0 =	vld.idx.msk [tilespmem:v57+s2+$0x0], $0xffff  }
0x7c: {  	v2 =	vadd.s32 $0x1, v57;
	_ =	sdelay $0x3  }
0x7d: {  	[tilespmem:$0x6340] =	vst v0  }
0x7e: {  	v0 =	vld.idx.msk [tilespmem:v2+s2+$0x0], $0xffff  }
0x7f: {  	v58 =	vld [tilespmem:$0x60D0];
	v1 =	vadd.s32 $0x2, v57;
	_ =	sdelay $0x3  }
0x80: {  	[tilespmem:$0x63C0] =	vst v0  }
0x81: {  	v59 =	vmul.u32 $0x3, v58;
	v0 =	vld.idx.msk [tilespmem:v1+s2+$0x0], $0xffff;
	_ =	sdelay $0x4  }
0x82: {  	[tilespmem:$0x6440] =	vst v0  }
0x83: {  	v0 =	vld.idx.msk [tilespmem:v59+s2+$0x0], $0xffff  }
0x84: {  	v2 =	vadd.s32 $0x1, v59;
	_ =	sdelay $0x3  }
0x85: {  	[tilespmem:$0x6350] =	vst v0  }
0x86: {  	v0 =	vld.idx.msk [tilespmem:v2+s2+$0x0], $0xffff  }
0x87: {  	v60 =	vld [tilespmem:$0x60E0];
	v1 =	vadd.s32 $0x2, v59;
	_ =	sdelay $0x3  }
0x88: {  	[tilespmem:$0x63D0] =	vst v0  }
0x89: {  	v61 =	vmul.u32 $0x3, v60;
	v0 =	vld.idx.msk [tilespmem:v1+s2+$0x0], $0xffff;
	_ =	sdelay $0x4  }
0x8a: {  	[tilespmem:$0x6450] =	vst v0  }
0x8b: {  	v0 =	vld.idx.msk [tilespmem:v61+s2+$0x0], $0xffff  }
0x8c: {  	v2 =	vadd.s32 $0x1, v61;
	_ =	sdelay $0x3  }
0x8d: {  	[tilespmem:$0x6360] =	vst v0  }
0x8e: {  	v0 =	vld.idx.msk [tilespmem:v2+s2+$0x0], $0xffff  }
0x8f: {  	v62 =	vld [tilespmem:$0x60F0];
	v1 =	vadd.s32 $0x2, v61;
	_ =	sdelay $0x3  }
0x90: {  	[tilespmem:$0x63E0] =	vst v0  }
0x91: {  	v63 =	vmul.u32 $0x3, v62;
	v0 =	vld.idx.msk [tilespmem:v1+s2+$0x0], $0xffff;
	_ =	sdelay $0x4  }
0x92: {  	[tilespmem:$0x6460] =	vst v0  }
0x93: {  	v0 =	vld.idx.msk [tilespmem:v63+s2+$0x0], $0xffff  }
0x94: {  	v2 =	vadd.s32 $0x1, v63;
	_ =	sdelay $0x3  }
0x95: {  	[tilespmem:$0x6370] =	vst v0  }
0x96: {  	v0 =	vld.idx.msk [tilespmem:v2+s2+$0x0], $0xffff  }
0x97: {  	v1 =	vadd.s32 $0x2, v63;
	_ =	sdelay $0x3  }
0x98: {  	[tilespmem:$0x63F0] =	vst v0  }
0x99: {  	v0 =	vld.idx.msk [tilespmem:v1+s2+$0x0], $0xffff;
	_ =	sdelay $0x3  }
0x9a: {  	p0 =	sne.s32 s7, $0x1  }
.Ltmp0:
0x9b: {  	[tilespmem:$0x6470] =	vst v0;
	(pc) =	sbr.rel @p0 .LBB2_1-.Ltmp0, $4  }
0x9c: {  	[hbm4b:s6+s2] =	stream.linear.scatter [tilespmem:s11], [sflag:$0x1], $0x400, $0x38;
	[tilespmem:$0x6500] =	vst v63  }
0x9d: {  	_ =	swait.ge [sflag:s3], $0x400  }
0x9e: {  	[sflag:s3] =	ssyncset.done $0x0  }
0x9f: {  	s7 =	sadd.s32 $0xFFFFFFFF, s7;
	[sflag:s3] =	ssyncadd.s32 $0xFFFFFC00  }
0xa0: {  	_ =	sfence.sel $0x180000  }
0xa1: {  	[bflag:$0x0] =	sbarrier.arrive $0xFFFF  }
0xa2: {  	p0 =	sne.s32 s0, $0x0;
	_ =	strace $0x90000047  }
0xa3: {  	s0 =	sadd.s32 @!p0 $0x100000, s1;
	[bflag:$0x2] =	sbarrier.arrive $0xFFFF  }
0xa4: {  	[sflag:s0] =	ssyncadd.tile.s32 @!p0 $0x1;
	_ =	shalt  }
.Lfunc_end2:
_tile_overlayer_lowered:
.L_overlay_start_2:
0xa5: {  	(tag) =	ssettag $0x2  }
0xa6: {  	s0 =	rddreg [dreg:$0x0];
	s2 =	stileid.u32  }
0xa7: {  	s1 =	rddreg [dreg:$0x1];
	p0 =	sne.s32 s2, $0x0  }
0xa8: {  	s3 =	rddreg [dreg:$0x2];
	[bflag:$0x3] =	sbarrier.arrive $0xFFFF;
	s2 =	simm.s32 @!p0 $0x1C01  }
0xa9: {  	[timem:s3], [sflag:s2] =	dma.local @!p0 [hbm:s0], s1  }
0xaa: {  	s0 =	simm.s32 @!p0 $0x1  }
0xab: {  	_ =	swait.ge @!p0 [sflag:s0], s1  }
0xac: {  	s1 =	ssub.s32 @!p0 $0x0, s1;
	[sflag:s0] =	ssyncset.done @!p0 $0x0  }
0xad: {  	[sflag:s0] =	ssyncadd.s32 @!p0 s1  }
0xae: {  	[bflag:$0x3] =	sbarrier.arrive $0xFFFF  }
0xaf: {  	_ =	shalt  }

</sc_bundles>
